<compile_context>
chip_gen: v7x
topology: tpu7x:2x2x1
jax: 0.10.2.dev20260603
libtpu: 0.0.44.dev20260713+nightly
codegen_flags: <defaults>
</compile_context>

<pallas_src>
import functools

import jax
import jax.numpy as jnp
import numpy as np
from jax import lax
from jax.experimental import pallas as pl
from jax.experimental.pallas import tpu as pltpu
from jax.experimental.pallas import tpu_sc as plsc

_PRE_N = 100000
_POST_N = 100000
_N_EDGES = 6400000
_DT = 0.1
_TAU_AMPA = 2.0
_E_AMPA = 0.0
_G_BAR = 1.0
_DECAY = float(np.exp(-_DT / _TAU_AMPA))

_NC = 2
_NS = 16
_NW = _NC * _NS
_L = 16

_CH = 2048
_NCHUNK = _N_EDGES // _CH
_NJ = -(-(-(-_NCHUNK // _NW) + 1) // 3)

_PAD_N = 100352
_ROWS = _PAD_N // 128

_RCH = 25000
_NR = _POST_N // _RCH
_ZCH = 50000
_NP = _NC
_UNROLL = 4


def _sc_partial_g(snew, col2, val2, row2):
    mesh = plsc.VectorSubcoreMesh(core_axis_name="c", subcore_axis_name="s")

    @functools.partial(
        pl.kernel,
        mesh=mesh,
        out_type=jax.ShapeDtypeStruct((_NP * _PAD_N,), jnp.float32),
        compiler_params=pltpu.CompilerParams(needs_layout_passes=False),
        scratch_types=[
            pltpu.VMEM((_PRE_N,), jnp.float32),
            pltpu.VMEM_SHARED((_PRE_N,), jnp.float32),
            pltpu.VMEM((_CH,), jnp.int32),
            pltpu.VMEM((_CH,), jnp.int32),
            pltpu.VMEM((_CH,), jnp.int32),
            pltpu.VMEM((_CH,), jnp.float32),
            pltpu.VMEM((_CH,), jnp.float32),
            pltpu.VMEM((_CH,), jnp.float32),
            pltpu.VMEM((_CH,), jnp.int32),
            pltpu.VMEM((_CH,), jnp.int32),
            pltpu.VMEM((_CH,), jnp.int32),
            pltpu.VMEM((_CH,), jnp.float32),
            pltpu.VMEM((_CH,), jnp.float32),
            pltpu.VMEM((_CH,), jnp.float32),
            pltpu.SemaphoreType.DMA,
            pltpu.SemaphoreType.DMA,
            pltpu.SemaphoreType.DMA,
            pltpu.SemaphoreType.DMA,
            pltpu.SemaphoreType.DMA,
            pltpu.SemaphoreType.DMA,
            pltpu.SemaphoreType.DMA,
        ],
    )
    def kern(snew_hbm, col_hbm, val_hbm, row_hbm, out_hbm,
             s_tile, gsh, col0, col1, col2c, val0, val1, val2c,
             row0, row1, row2c, con0, con1, con2c,
             lsem, dsem0, dsem1, dsem2, ssem0, ssem1, ssem2):
        cid = lax.axis_index("c")
        sid = lax.axis_index("s")
        wid = cid * _NS + sid
        colb = (col0, col1, col2c)
        valb = (val0, val1, val2c)
        rowb = (row0, row1, row2c)
        conb = (con0, con1, con2c)
        dsems = (dsem0, dsem1, dsem2)
        ssems = (ssem0, ssem1, ssem2)

        def zero_vec(i, _):
            s_tile[pl.ds(i * _L, _L)] = jnp.zeros((_L,), jnp.float32)
            return 0

        lax.fori_loop(0, _ZCH // _L, zero_vec, 0)

        @pl.when(sid == 0)
        def _():
            for z in range(_PRE_N // _ZCH):
                pltpu.sync_copy(s_tile.at[pl.ds(0, _ZCH)],
                                gsh.at[pl.ds(z * _ZCH, _ZCH)])

        plsc.subcore_barrier()

        pltpu.async_copy(snew_hbm.at[pl.ds(0, _PRE_N)], s_tile, lsem)
        pltpu.make_async_copy(snew_hbm.at[pl.ds(0, _PRE_N)], s_tile,
                              lsem).wait()

        def dma_start(slot, c):
            e = pl.ds(c * _CH, _CH)
            pltpu.async_copy(col_hbm.at[e], colb[slot], dsems[slot])
            pltpu.async_copy(val_hbm.at[e], valb[slot], dsems[slot])
            pltpu.async_copy(row_hbm.at[e], rowb[slot], dsems[slot])

        def dma_wait(slot, c):
            e = pl.ds(c * _CH, _CH)
            pltpu.make_async_copy(col_hbm.at[e], colb[slot],
                                  dsems[slot]).wait()
            pltpu.make_async_copy(val_hbm.at[e], valb[slot],
                                  dsems[slot]).wait()
            pltpu.make_async_copy(row_hbm.at[e], rowb[slot],
                                  dsems[slot]).wait()

        def scat_start(slot):
            pltpu.async_copy(conb[slot], gsh.at[rowb[slot]], ssems[slot],
                             add=True)

        def scat_wait(slot):
            pltpu.make_async_copy(conb[slot], gsh.at[rowb[slot]],
                                  ssems[slot]).wait()

        dma_start(0, wid)

        def step(j, b):
            k = 3 * j + b
            c = wid + _NW * k

            @pl.when(c < _NCHUNK)
            def _():
                nxt = (b + 1) % 3

                @pl.when(c + _NW < _NCHUNK)
                def _():
                    if b == 2:
                        scat_wait(nxt)
                    else:
                        @pl.when(j >= 1)
                        def _():
                            scat_wait(nxt)

                    dma_start(nxt, c + _NW)

                dma_wait(b, c)

                def gmul(i, _):
                    for u in range(_UNROLL):
                        sl = pl.ds(i * (_L * _UNROLL) + u * _L, _L)
                        idx = colb[b][sl]
                        sv = plsc.load_gather(s_tile, [idx])
                        conb[b][sl] = valb[b][sl] * sv
                    return 0

                lax.fori_loop(0, _CH // (_L * _UNROLL), gmul, 0)
                scat_start(b)

        def body(j, _):
            step(j, 0)
            step(j, 1)
            step(j, 2)
            return 0

        lax.fori_loop(0, _NJ, body, 0)

        for b in range(3):
            scat_wait(b)

        plsc.subcore_barrier()

        @pl.when(sid < _NR)
        def _():
            pltpu.sync_copy(gsh.at[pl.ds(sid * _RCH, _RCH)],
                            s_tile.at[pl.ds(0, _RCH)])
            pltpu.sync_copy(
                s_tile.at[pl.ds(0, _RCH)],
                out_hbm.at[pl.ds(cid * _PAD_N + sid * _RCH, _RCH)])

    return kern(snew, col2, val2, row2)


def _tc_snew(pre_spikes, s):
    a = jnp.pad(s, (0, _PAD_N - _PRE_N)).reshape(_ROWS, 128)
    b = jnp.pad(pre_spikes, (0, _PAD_N - _PRE_N)).reshape(_ROWS, 128)

    def upd(s_ref, p_ref, o_ref):
        o_ref[...] = s_ref[...] * _DECAY + p_ref[...]

    out = pl.pallas_call(
        upd,
        out_shape=jax.ShapeDtypeStruct((_ROWS, 128), jnp.float32),
    )(a, b)
    return out.reshape(-1)


def _tc_finish(partial, post_v):
    a = partial.reshape(_NP, _ROWS, 128)
    b = jnp.pad(post_v, (0, _PAD_N - _POST_N)).reshape(_ROWS, 128)

    def fin(a_ref, b_ref, o_ref):
        g = a_ref[0]
        for i in range(1, _NP):
            g = g + a_ref[i]
        o_ref[...] = (_G_BAR * g) * (_E_AMPA - b_ref[...])

    out = pl.pallas_call(
        fin,
        out_shape=jax.ShapeDtypeStruct((_ROWS, 128), jnp.float32),
    )(a, b)
    return out.reshape(-1)[:_POST_N]


def kernel(pre_spikes, post_v, _row, _col, _val, s):
    col1 = _col.astype(jnp.int32)
    row1 = _row.astype(jnp.int32)
    snew = _tc_snew(pre_spikes, s)
    partial = _sc_partial_g(snew, col1, _val, row1)
    return _tc_finish(partial, post_v)

# --- scband reference (transcript-rebuilt; emitter-appended) ---
"""Pipeline reference for scband-synapse-88149908783721 (READ-ONLY COPY).

The authoritative reference and input builder live on the scoring server;
editing this copy changes nothing except your own understanding.
"""

import jax, jax.numpy as jnp
import numpy as np

PRE_N = 100000
POST_N = 100000
N_EDGES = 6400000
DT = 0.1
TAU_AMPA = 2.0
E_AMPA = 0.0
G_BAR = 1.0
DECAY = float(np.exp(-DT / TAU_AMPA))


def setup_inputs(seed: int = 0) -> dict:
    key = jax.random.key(seed)
    k1, k2, k3, k4, k5, k6 = jax.random.split(key, 6)
    pre_spikes = jax.random.uniform(k1, (PRE_N,), dtype=jnp.float32)
    post_v = jax.random.normal(k2, (POST_N,), dtype=jnp.float32)
    row = jax.random.randint(k3, (N_EDGES,), 0, POST_N, dtype=jnp.int64)
    col = jax.random.randint(k4, (N_EDGES,), 0, PRE_N, dtype=jnp.int64)
    val = jax.random.uniform(k5, (N_EDGES,), dtype=jnp.float32)
    s = jax.random.uniform(k6, (PRE_N,), dtype=jnp.float32)
    return {"pre_spikes": pre_spikes, "post_v": post_v, "_row": row, "_col": col, "_val": val, "s": s}


def reference(pre_spikes, post_v, _row, _col, _val, s):
    # s <- s * decay + pre_spikes (exponential synaptic trace update)
    s_new = s * DECAY + pre_spikes
    # sparse COO matvec: g[post] += val * s[pre]  (gather + scatter-add)
    contrib = _val * jnp.take(s_new, _col)
    g = jax.ops.segment_sum(contrib, _row, num_segments=POST_N)
    g = G_BAR * g
    # AMPA: no Mg block
    I_syn = g * (E_AMPA - post_v)
    return I_syn

if __name__ == "__main__":
    import jax
    _d = setup_inputs()
    print(jax.jit(kernel)(*tuple(_d.values())))

</pallas_src>

<mosaic_0001>
#map = affine_map<(d0, d1) -> (0)>
module attributes {stable_mosaic.version = 14 : i64} {
  func.func @kern(%arg0: i32, %arg1: i32, %arg2: memref<100352xf32, #tpu.memory_space<hbm>>, %arg3: memref<6400000xi32, #tpu.memory_space<hbm>>, %arg4: memref<6400000xf32, #tpu.memory_space<hbm>>, %arg5: memref<6400000xi32, #tpu.memory_space<hbm>>, %arg6: memref<200704xf32, #tpu.memory_space<hbm>>, %arg7: memref<100000xf32, #tpu.memory_space<vmem>>, %arg8: memref<100000xf32, #tpu.memory_space<vmem_shared>>, %arg9: memref<2048xi32, #tpu.memory_space<vmem>>, %arg10: memref<2048xi32, #tpu.memory_space<vmem>>, %arg11: memref<2048xi32, #tpu.memory_space<vmem>>, %arg12: memref<2048xf32, #tpu.memory_space<vmem>>, %arg13: memref<2048xf32, #tpu.memory_space<vmem>>, %arg14: memref<2048xf32, #tpu.memory_space<vmem>>, %arg15: memref<2048xi32, #tpu.memory_space<vmem>>, %arg16: memref<2048xi32, #tpu.memory_space<vmem>>, %arg17: memref<2048xi32, #tpu.memory_space<vmem>>, %arg18: memref<2048xf32, #tpu.memory_space<vmem>>, %arg19: memref<2048xf32, #tpu.memory_space<vmem>>, %arg20: memref<2048xf32, #tpu.memory_space<vmem>>, %arg21: memref<!tpu.dma_semaphore, #tpu.memory_space<semaphore_mem>>, %arg22: memref<!tpu.dma_semaphore, #tpu.memory_space<semaphore_mem>>, %arg23: memref<!tpu.dma_semaphore, #tpu.memory_space<semaphore_mem>>, %arg24: memref<!tpu.dma_semaphore, #tpu.memory_space<semaphore_mem>>, %arg25: memref<!tpu.dma_semaphore, #tpu.memory_space<semaphore_mem>>, %arg26: memref<!tpu.dma_semaphore, #tpu.memory_space<semaphore_mem>>, %arg27: memref<!tpu.dma_semaphore, #tpu.memory_space<semaphore_mem>>) attributes {dimension_semantics = [#tpu.dimension_semantics<core_parallel>, #tpu.dimension_semantics<subcore_parallel>], iteration_bounds = array<i64: 2, 16>, scalar_prefetch = 0 : i64, scratch_operands = 21 : i64, tpu.core_type = #tpu.core_type<sc_vector_subcore>, window_params = [{transform_indices = #map}, {transform_indices = #map}, {transform_indices = #map}, {transform_indices = #map}, {transform_indices = #map}]} {
    %mul3A = arith.constant 16 : i32
    %mul3A_0 = arith.muli %arg0, %mul3A : i32
    %add3A = arith.addi %mul3A_0, %arg1 : i32
    %scan3A = arith.constant 0 : i32
    %scan3A_1 = arith.constant 0 : i32
    %scan3A_2 = arith.constant 3125 : i32
    %scan3A_3 = arith.addi %scan3A_1, %scan3A_2 : i32
    %scan3A_4 = arith.constant 1 : i32
    %scan3A_5 = scf.for %scan3A_41 = %scan3A_1 to %scan3A_3 step %scan3A_4 iter_args(%scan3A_42 = %scan3A) -> (i32)  : i32 {
      %broadcast_in_dim3A = arith.constant 0.000000e+00 : f32
      %broadcast_in_dim3A_43 = vector.broadcast %broadcast_in_dim3A : f32 to vector<16xf32>
      %mul3A_44 = arith.constant 16 : i32
      %mul3A_45 = arith.muli %scan3A_41, %mul3A_44 : i32
      %swap3A = arith.index_cast %mul3A_45 : i32 to index
      %swap3A_46 = tpu.vector_load %arg7[%swap3A] {strides = array<i32>} : memref<100000xf32, #tpu.memory_space<vmem>>, vector<16xf32>,
      tpu.vector_store %arg7[%swap3A], %broadcast_in_dim3A_43 {strides = array<i32>} : memref<100000xf32, #tpu.memory_space<vmem>>, vector<16xf32>,
      %scan3A_47 = arith.constant 0 : i32
      scf.yield %scan3A_47 : i32
    }
    %scan3A_6 = arith.constant 3125 : i32
    %eq3A = arith.constant 0 : i32
    %eq3A_7 = arith.cmpi eq, %arg1, %eq3A : i32
    %convert_element_type3A = arith.extui %eq3A_7 : i1 to i32
    %cond3A = arith.constant 0 : i32
    %cond3A_8 = arith.cmpi ne, %convert_element_type3A, %cond3A : i32
    scf.if %cond3A_8 {
      "tpu.region"() ({
        %run_scoped3A = tpu.sem_alloc : memref<!tpu.dma_semaphore, #tpu.memory_space<semaphore_mem>>
        %dma_start3A_41 = arith.constant 0 : i32
        %dma_start3A_42 = tpu.memref_slice %arg7[%dma_start3A_41] : memref<100000xf32, #tpu.memory_space<vmem>> -> memref<50000xf32, #tpu.memory_space<vmem>>
        %dma_start3A_43 = arith.constant 0 : i32
        %dma_start3A_44 = tpu.memref_slice %arg8[%dma_start3A_43] : memref<100000xf32, #tpu.memory_space<vmem_shared>> -> memref<50000xf32, #tpu.memory_space<vmem_shared>>
        %dma_start3A_45 = arith.constant 0 : i32
        %dma_start3A_46 = tpu.memref_slice %arg8[%dma_start3A_45] : memref<100000xf32, #tpu.memory_space<vmem_shared>> -> memref<50000xf32, #tpu.memory_space<vmem_shared>>
        %dma_start3A_47 = arith.constant 0 : i32
        %dma_start3A_48 = tpu.memref_slice %arg7[%dma_start3A_47] : memref<100000xf32, #tpu.memory_space<vmem>> -> memref<50000xf32, #tpu.memory_space<vmem>>
        tpu.enqueue_dma source(%dma_start3A_48 : memref<50000xf32, #tpu.memory_space<vmem>>) target(%dma_start3A_46 : memref<50000xf32, #tpu.memory_space<vmem_shared>>) target_semaphore(%run_scoped3A : memref<!tpu.dma_semaphore, #tpu.memory_space<semaphore_mem>>)
        %dma_wait3A_49 = arith.constant 0 : i32
        %dma_wait3A_50 = tpu.memref_slice %arg7[%dma_wait3A_49] : memref<100000xf32, #tpu.memory_space<vmem>> -> memref<50000xf32, #tpu.memory_space<vmem>>
        %dma_wait3A_51 = arith.constant 0 : i32
        %dma_wait3A_52 = tpu.memref_slice %arg8[%dma_wait3A_51] : memref<100000xf32, #tpu.memory_space<vmem_shared>> -> memref<50000xf32, #tpu.memory_space<vmem_shared>>
        %dma_wait3A_53 = arith.constant 0 : i32
        %dma_wait3A_54 = tpu.memref_slice %arg8[%dma_wait3A_53] : memref<100000xf32, #tpu.memory_space<vmem_shared>> -> memref<50000xf32, #tpu.memory_space<vmem_shared>>
        %dma_wait3A_55 = arith.constant 0 : i32
        %dma_wait3A_56 = tpu.memref_slice %arg7[%dma_wait3A_55] : memref<100000xf32, #tpu.memory_space<vmem>> -> memref<50000xf32, #tpu.memory_space<vmem>>
        tpu.wait_dma2 semaphore(%run_scoped3A : memref<!tpu.dma_semaphore, #tpu.memory_space<semaphore_mem>>) src(%dma_wait3A_56 : memref<50000xf32, #tpu.memory_space<vmem>>) dst(%dma_wait3A_54 : memref<50000xf32, #tpu.memory_space<vmem_shared>>)
        tpu.yield
      }) : () -> ()
      "tpu.region"() ({
        %run_scoped3A = tpu.sem_alloc : memref<!tpu.dma_semaphore, #tpu.memory_space<semaphore_mem>>
        %dma_start3A_41 = arith.constant 0 : i32
        %dma_start3A_42 = tpu.memref_slice %arg7[%dma_start3A_41] : memref<100000xf32, #tpu.memory_space<vmem>> -> memref<50000xf32, #tpu.memory_space<vmem>>
        %dma_start3A_43 = arith.constant 50000 : i32
        %dma_start3A_44 = tpu.memref_slice %arg8[%dma_start3A_43] : memref<100000xf32, #tpu.memory_space<vmem_shared>> -> memref<50000xf32, #tpu.memory_space<vmem_shared>>
        %dma_start3A_45 = arith.constant 50000 : i32
        %dma_start3A_46 = tpu.memref_slice %arg8[%dma_start3A_45] : memref<100000xf32, #tpu.memory_space<vmem_shared>> -> memref<50000xf32, #tpu.memory_space<vmem_shared>>
        %dma_start3A_47 = arith.constant 0 : i32
        %dma_start3A_48 = tpu.memref_slice %arg7[%dma_start3A_47] : memref<100000xf32, #tpu.memory_space<vmem>> -> memref<50000xf32, #tpu.memory_space<vmem>>
        tpu.enqueue_dma source(%dma_start3A_48 : memref<50000xf32, #tpu.memory_space<vmem>>) target(%dma_start3A_46 : memref<50000xf32, #tpu.memory_space<vmem_shared>>) target_semaphore(%run_scoped3A : memref<!tpu.dma_semaphore, #tpu.memory_space<semaphore_mem>>)
        %dma_wait3A_49 = arith.constant 0 : i32
        %dma_wait3A_50 = tpu.memref_slice %arg7[%dma_wait3A_49] : memref<100000xf32, #tpu.memory_space<vmem>> -> memref<50000xf32, #tpu.memory_space<vmem>>
        %dma_wait3A_51 = arith.constant 50000 : i32
        %dma_wait3A_52 = tpu.memref_slice %arg8[%dma_wait3A_51] : memref<100000xf32, #tpu.memory_space<vmem_shared>> -> memref<50000xf32, #tpu.memory_space<vmem_shared>>
        %dma_wait3A_53 = arith.constant 50000 : i32
        %dma_wait3A_54 = tpu.memref_slice %arg8[%dma_wait3A_53] : memref<100000xf32, #tpu.memory_space<vmem_shared>> -> memref<50000xf32, #tpu.memory_space<vmem_shared>>
        %dma_wait3A_55 = arith.constant 0 : i32
        %dma_wait3A_56 = tpu.memref_slice %arg7[%dma_wait3A_55] : memref<100000xf32, #tpu.memory_space<vmem>> -> memref<50000xf32, #tpu.memory_space<vmem>>
        tpu.wait_dma2 semaphore(%run_scoped3A : memref<!tpu.dma_semaphore, #tpu.memory_space<semaphore_mem>>) src(%dma_wait3A_56 : memref<50000xf32, #tpu.memory_space<vmem>>) dst(%dma_wait3A_54 : memref<50000xf32, #tpu.memory_space<vmem_shared>>)
        tpu.yield
      }) : () -> ()
    } else {
    }
    %barrier3A = arith.constant 0 : index
    tpu.barrier barrier_id(%barrier3A)
    %dma_start3A = arith.constant 0 : i32
    %dma_start3A_9 = tpu.memref_slice %arg2[%dma_start3A] : memref<100352xf32, #tpu.memory_space<hbm>> -> memref<100000xf32, #tpu.memory_space<hbm>>
    %dma_start3A_10 = arith.constant 0 : i32
    %dma_start3A_11 = tpu.memref_slice %arg2[%dma_start3A_10] : memref<100352xf32, #tpu.memory_space<hbm>> -> memref<100000xf32, #tpu.memory_space<hbm>>
    tpu.enqueue_dma source(%dma_start3A_11 : memref<100000xf32, #tpu.memory_space<hbm>>) target(%arg7 : memref<100000xf32, #tpu.memory_space<vmem>>) target_semaphore(%arg21 : memref<!tpu.dma_semaphore, #tpu.memory_space<semaphore_mem>>)
    %dma_wait3A = arith.constant 0 : i32
    %dma_wait3A_12 = tpu.memref_slice %arg2[%dma_wait3A] : memref<100352xf32, #tpu.memory_space<hbm>> -> memref<100000xf32, #tpu.memory_space<hbm>>
    %dma_wait3A_13 = arith.constant 0 : i32
    %dma_wait3A_14 = tpu.memref_slice %arg2[%dma_wait3A_13] : memref<100352xf32, #tpu.memory_space<hbm>> -> memref<100000xf32, #tpu.memory_space<hbm>>
    tpu.wait_dma2 semaphore(%arg21 : memref<!tpu.dma_semaphore, #tpu.memory_space<semaphore_mem>>) src(%dma_wait3A_14 : memref<100000xf32, #tpu.memory_space<hbm>>) dst(%arg7 : memref<100000xf32, #tpu.memory_space<vmem>>)
    %mul3A_15 = arith.constant 2048 : i32
    %mul3A_16 = arith.muli %add3A, %mul3A_15 : i32
    %dma_start3A_17 = tpu.memref_slice %arg3[%mul3A_16] : memref<6400000xi32, #tpu.memory_space<hbm>> -> memref<2048xi32, #tpu.memory_space<hbm>>
    %dma_start3A_18 = tpu.memref_slice %arg3[%mul3A_16] : memref<6400000xi32, #tpu.memory_space<hbm>> -> memref<2048xi32, #tpu.memory_space<hbm>>
    tpu.enqueue_dma source(%dma_start3A_18 : memref<2048xi32, #tpu.memory_space<hbm>>) target(%arg9 : memref<2048xi32, #tpu.memory_space<vmem>>) target_semaphore(%arg22 : memref<!tpu.dma_semaphore, #tpu.memory_space<semaphore_mem>>)
    %dma_start3A_19 = tpu.memref_slice %arg4[%mul3A_16] : memref<6400000xf32, #tpu.memory_space<hbm>> -> memref<2048xf32, #tpu.memory_space<hbm>>
    %dma_start3A_20 = tpu.memref_slice %arg4[%mul3A_16] : memref<6400000xf32, #tpu.memory_space<hbm>> -> memref<2048xf32, #tpu.memory_space<hbm>>
    tpu.enqueue_dma source(%dma_start3A_20 : memref<2048xf32, #tpu.memory_space<hbm>>) target(%arg12 : memref<2048xf32, #tpu.memory_space<vmem>>) target_semaphore(%arg22 : memref<!tpu.dma_semaphore, #tpu.memory_space<semaphore_mem>>)
    %dma_start3A_21 = tpu.memref_slice %arg5[%mul3A_16] : memref<6400000xi32, #tpu.memory_space<hbm>> -> memref<2048xi32, #tpu.memory_space<hbm>>
    %dma_start3A_22 = tpu.memref_slice %arg5[%mul3A_16] : memref<6400000xi32, #tpu.memory_space<hbm>> -> memref<2048xi32, #tpu.memory_space<hbm>>
    tpu.enqueue_dma source(%dma_start3A_22 : memref<2048xi32, #tpu.memory_space<hbm>>) target(%arg15 : memref<2048xi32, #tpu.memory_space<vmem>>) target_semaphore(%arg22 : memref<!tpu.dma_semaphore, #tpu.memory_space<semaphore_mem>>)
    %scan3A_23 = arith.constant 0 : i32
    %scan3A_24 = arith.constant 0 : i32
    %scan3A_25 = arith.constant 33 : i32
    %scan3A_26 = arith.addi %scan3A_24, %scan3A_25 : i32
    %scan3A_27 = arith.constant 1 : i32
    %scan3A_28 = scf.for %scan3A_41 = %scan3A_24 to %scan3A_26 step %scan3A_27 iter_args(%scan3A_42 = %scan3A_23) -> (i32)  : i32 {
      %mul3A_43 = arith.constant 3 : i32
      %mul3A_44 = arith.muli %mul3A_43, %scan3A_41 : i32
      %add3A_45 = arith.constant 0 : i32
      %add3A_46 = arith.addi %mul3A_44, %add3A_45 : i32
      %mul3A_47 = arith.constant 32 : i32
      %mul3A_48 = arith.muli %mul3A_47, %add3A_46 : i32
      %add3A_49 = arith.addi %add3A, %mul3A_48 : i32
      %lt3A_50 = arith.constant 3125 : i32
      %lt3A_51 = arith.cmpi slt, %add3A_49, %lt3A_50 : i32
      %convert_element_type3A_52 = arith.extui %lt3A_51 : i1 to i32
      %cond3A_53 = arith.constant 0 : i32
      %cond3A_54 = arith.cmpi ne, %convert_element_type3A_52, %cond3A_53 : i32
      scf.if %cond3A_54 {
        %add3A_80 = arith.constant 32 : i32
        %add3A_81 = arith.addi %add3A_49, %add3A_80 : i32
        %lt3A_82 = arith.constant 3125 : i32
        %lt3A_83 = arith.cmpi slt, %add3A_81, %lt3A_82 : i32
        %convert_element_type3A_84 = arith.extui %lt3A_83 : i1 to i32
        %cond3A_85 = arith.constant 0 : i32
        %cond3A_86 = arith.cmpi ne, %convert_element_type3A_84, %cond3A_85 : i32
        scf.if %cond3A_86 {
          %ge3A = arith.constant 1 : i32
          %ge3A_104 = arith.cmpi sge, %scan3A_41, %ge3A : i32
          %convert_element_type3A_105 = arith.extui %ge3A_104 : i1 to i32
          %cond3A_106 = arith.constant 0 : i32
          %cond3A_107 = arith.cmpi ne, %convert_element_type3A_105, %cond3A_106 : i32
          scf.if %cond3A_107 {
            %dma_wait3A_118 = arith.constant 0 : i32
            %dma_wait3A_119 = tpu.memref_slice %arg8[%dma_wait3A_118] : memref<100000xf32, #tpu.memory_space<vmem_shared>> -> memref<100000xf32, #tpu.memory_space<vmem_shared>>
            tpu.wait_indirect_dma semaphore(%arg26 : memref<!tpu.dma_semaphore, #tpu.memory_space<semaphore_mem>>) src(%arg19 : memref<2048xf32, #tpu.memory_space<vmem>>) dst(%dma_wait3A_119 : memref<100000xf32, #tpu.memory_space<vmem_shared>>)
          } else {
          }
          %add3A_108 = arith.constant 32 : i32
          %add3A_109 = arith.addi %add3A_49, %add3A_108 : i32
          %mul3A_110 = arith.constant 2048 : i32
          %mul3A_111 = arith.muli %add3A_109, %mul3A_110 : i32
          %dma_start3A_112 = tpu.memref_slice %arg3[%mul3A_111] : memref<6400000xi32, #tpu.memory_space<hbm>> -> memref<2048xi32, #tpu.memory_space<hbm>>
          %dma_start3A_113 = tpu.memref_slice %arg3[%mul3A_111] : memref<6400000xi32, #tpu.memory_space<hbm>> -> memref<2048xi32, #tpu.memory_space<hbm>>
          tpu.enqueue_dma source(%dma_start3A_113 : memref<2048xi32, #tpu.memory_space<hbm>>) target(%arg10 : memref<2048xi32, #tpu.memory_space<vmem>>) target_semaphore(%arg23 : memref<!tpu.dma_semaphore, #tpu.memory_space<semaphore_mem>>)
          %dma_start3A_114 = tpu.memref_slice %arg4[%mul3A_111] : memref<6400000xf32, #tpu.memory_space<hbm>> -> memref<2048xf32, #tpu.memory_space<hbm>>
          %dma_start3A_115 = tpu.memref_slice %arg4[%mul3A_111] : memref<6400000xf32, #tpu.memory_space<hbm>> -> memref<2048xf32, #tpu.memory_space<hbm>>
          tpu.enqueue_dma source(%dma_start3A_115 : memref<2048xf32, #tpu.memory_space<hbm>>) target(%arg13 : memref<2048xf32, #tpu.memory_space<vmem>>) target_semaphore(%arg23 : memref<!tpu.dma_semaphore, #tpu.memory_space<semaphore_mem>>)
          %dma_start3A_116 = tpu.memref_slice %arg5[%mul3A_111] : memref<6400000xi32, #tpu.memory_space<hbm>> -> memref<2048xi32, #tpu.memory_space<hbm>>
          %dma_start3A_117 = tpu.memref_slice %arg5[%mul3A_111] : memref<6400000xi32, #tpu.memory_space<hbm>> -> memref<2048xi32, #tpu.memory_space<hbm>>
          tpu.enqueue_dma source(%dma_start3A_117 : memref<2048xi32, #tpu.memory_space<hbm>>) target(%arg16 : memref<2048xi32, #tpu.memory_space<vmem>>) target_semaphore(%arg23 : memref<!tpu.dma_semaphore, #tpu.memory_space<semaphore_mem>>)
        } else {
        }
        %mul3A_87 = arith.constant 2048 : i32
        %mul3A_88 = arith.muli %add3A_49, %mul3A_87 : i32
        %dma_wait3A_89 = tpu.memref_slice %arg3[%mul3A_88] : memref<6400000xi32, #tpu.memory_space<hbm>> -> memref<2048xi32, #tpu.memory_space<hbm>>
        %dma_wait3A_90 = tpu.memref_slice %arg3[%mul3A_88] : memref<6400000xi32, #tpu.memory_space<hbm>> -> memref<2048xi32, #tpu.memory_space<hbm>>
        tpu.wait_dma2 semaphore(%arg22 : memref<!tpu.dma_semaphore, #tpu.memory_space<semaphore_mem>>) src(%dma_wait3A_90 : memref<2048xi32, #tpu.memory_space<hbm>>) dst(%arg9 : memref<2048xi32, #tpu.memory_space<vmem>>)
        %dma_wait3A_91 = tpu.memref_slice %arg4[%mul3A_88] : memref<6400000xf32, #tpu.memory_space<hbm>> -> memref<2048xf32, #tpu.memory_space<hbm>>
        %dma_wait3A_92 = tpu.memref_slice %arg4[%mul3A_88] : memref<6400000xf32, #tpu.memory_space<hbm>> -> memref<2048xf32, #tpu.memory_space<hbm>>
        tpu.wait_dma2 semaphore(%arg22 : memref<!tpu.dma_semaphore, #tpu.memory_space<semaphore_mem>>) src(%dma_wait3A_92 : memref<2048xf32, #tpu.memory_space<hbm>>) dst(%arg12 : memref<2048xf32, #tpu.memory_space<vmem>>)
        %dma_wait3A_93 = tpu.memref_slice %arg5[%mul3A_88] : memref<6400000xi32, #tpu.memory_space<hbm>> -> memref<2048xi32, #tpu.memory_space<hbm>>
        %dma_wait3A_94 = tpu.memref_slice %arg5[%mul3A_88] : memref<6400000xi32, #tpu.memory_space<hbm>> -> memref<2048xi32, #tpu.memory_space<hbm>>
        tpu.wait_dma2 semaphore(%arg22 : memref<!tpu.dma_semaphore, #tpu.memory_space<semaphore_mem>>) src(%dma_wait3A_94 : memref<2048xi32, #tpu.memory_space<hbm>>) dst(%arg15 : memref<2048xi32, #tpu.memory_space<vmem>>)
        %scan3A_95 = arith.constant 0 : i32
        %scan3A_96 = arith.constant 0 : i32
        %scan3A_97 = arith.constant 32 : i32
        %scan3A_98 = arith.addi %scan3A_96, %scan3A_97 : i32
        %scan3A_99 = arith.constant 1 : i32
        %scan3A_100 = scf.for %scan3A_104 = %scan3A_96 to %scan3A_98 step %scan3A_99 iter_args(%scan3A_105 = %scan3A_95) -> (i32)  : i32 {
          %mul3A_106 = arith.constant 64 : i32
          %mul3A_107 = arith.muli %scan3A_104, %mul3A_106 : i32
          %add3A_108 = arith.constant 0 : i32
          %add3A_109 = arith.addi %mul3A_107, %add3A_108 : i32
          %get3A = arith.index_cast %add3A_109 : i32 to index
          %get3A_110 = tpu.vector_load %arg9[%get3A] {strides = array<i32>} : memref<2048xi32, #tpu.memory_space<vmem>>, vector<16xi32>,
          %gather3A = tpu.vector_load_idx %arg7[%get3A_110] : memref<100000xf32, #tpu.memory_space<vmem>>[vector<16xi32>], vector<16xf32>,
          %get3A_111 = arith.index_cast %add3A_109 : i32 to index
          %get3A_112 = tpu.vector_load %arg12[%get3A_111] {strides = array<i32>} : memref<2048xf32, #tpu.memory_space<vmem>>, vector<16xf32>,
          %mul3A_113 = arith.mulf %get3A_112, %gather3A : vector<16xf32>
          %swap3A = arith.index_cast %add3A_109 : i32 to index
          %swap3A_114 = tpu.vector_load %arg18[%swap3A] {strides = array<i32>} : memref<2048xf32, #tpu.memory_space<vmem>>, vector<16xf32>,
          tpu.vector_store %arg18[%swap3A], %mul3A_113 {strides = array<i32>} : memref<2048xf32, #tpu.memory_space<vmem>>, vector<16xf32>,
          %mul3A_115 = arith.constant 64 : i32
          %mul3A_116 = arith.muli %scan3A_104, %mul3A_115 : i32
          %add3A_117 = arith.constant 16 : i32
          %add3A_118 = arith.addi %mul3A_116, %add3A_117 : i32
          %get3A_119 = arith.index_cast %add3A_118 : i32 to index
          %get3A_120 = tpu.vector_load %arg9[%get3A_119] {strides = array<i32>} : memref<2048xi32, #tpu.memory_space<vmem>>, vector<16xi32>,
          %gather3A_121 = tpu.vector_load_idx %arg7[%get3A_120] : memref<100000xf32, #tpu.memory_space<vmem>>[vector<16xi32>], vector<16xf32>,
          %get3A_122 = arith.index_cast %add3A_118 : i32 to index
          %get3A_123 = tpu.vector_load %arg12[%get3A_122] {strides = array<i32>} : memref<2048xf32, #tpu.memory_space<vmem>>, vector<16xf32>,
          %mul3A_124 = arith.mulf %get3A_123, %gather3A_121 : vector<16xf32>
          %swap3A_125 = arith.index_cast %add3A_118 : i32 to index
          %swap3A_126 = tpu.vector_load %arg18[%swap3A_125] {strides = array<i32>} : memref<2048xf32, #tpu.memory_space<vmem>>, vector<16xf32>,
          tpu.vector_store %arg18[%swap3A_125], %mul3A_124 {strides = array<i32>} : memref<2048xf32, #tpu.memory_space<vmem>>, vector<16xf32>,
          %mul3A_127 = arith.constant 64 : i32
          %mul3A_128 = arith.muli %scan3A_104, %mul3A_127 : i32
          %add3A_129 = arith.constant 32 : i32
          %add3A_130 = arith.addi %mul3A_128, %add3A_129 : i32
          %get3A_131 = arith.index_cast %add3A_130 : i32 to index
          %get3A_132 = tpu.vector_load %arg9[%get3A_131] {strides = array<i32>} : memref<2048xi32, #tpu.memory_space<vmem>>, vector<16xi32>,
          %gather3A_133 = tpu.vector_load_idx %arg7[%get3A_132] : memref<100000xf32, #tpu.memory_space<vmem>>[vector<16xi32>], vector<16xf32>,
          %get3A_134 = arith.index_cast %add3A_130 : i32 to index
          %get3A_135 = tpu.vector_load %arg12[%get3A_134] {strides = array<i32>} : memref<2048xf32, #tpu.memory_space<vmem>>, vector<16xf32>,
          %mul3A_136 = arith.mulf %get3A_135, %gather3A_133 : vector<16xf32>
          %swap3A_137 = arith.index_cast %add3A_130 : i32 to index
          %swap3A_138 = tpu.vector_load %arg18[%swap3A_137] {strides = array<i32>} : memref<2048xf32, #tpu.memory_space<vmem>>, vector<16xf32>,
          tpu.vector_store %arg18[%swap3A_137], %mul3A_136 {strides = array<i32>} : memref<2048xf32, #tpu.memory_space<vmem>>, vector<16xf32>,
          %mul3A_139 = arith.constant 64 : i32
          %mul3A_140 = arith.muli %scan3A_104, %mul3A_139 : i32
          %add3A_141 = arith.constant 48 : i32
          %add3A_142 = arith.addi %mul3A_140, %add3A_141 : i32
          %get3A_143 = arith.index_cast %add3A_142 : i32 to index
          %get3A_144 = tpu.vector_load %arg9[%get3A_143] {strides = array<i32>} : memref<2048xi32, #tpu.memory_space<vmem>>, vector<16xi32>,
          %gather3A_145 = tpu.vector_load_idx %arg7[%get3A_144] : memref<100000xf32, #tpu.memory_space<vmem>>[vector<16xi32>], vector<16xf32>,
          %get3A_146 = arith.index_cast %add3A_142 : i32 to index
          %get3A_147 = tpu.vector_load %arg12[%get3A_146] {strides = array<i32>} : memref<2048xf32, #tpu.memory_space<vmem>>, vector<16xf32>,
          %mul3A_148 = arith.mulf %get3A_147, %gather3A_145 : vector<16xf32>
          %swap3A_149 = arith.index_cast %add3A_142 : i32 to index
          %swap3A_150 = tpu.vector_load %arg18[%swap3A_149] {strides = array<i32>} : memref<2048xf32, #tpu.memory_space<vmem>>, vector<16xf32>,
          tpu.vector_store %arg18[%swap3A_149], %mul3A_148 {strides = array<i32>} : memref<2048xf32, #tpu.memory_space<vmem>>, vector<16xf32>,
          %scan3A_151 = arith.constant 0 : i32
          scf.yield %scan3A_151 : i32
        }
        %scan3A_101 = arith.constant 32 : i32
        %dma_start3A_102 = arith.constant 0 : i32
        %dma_start3A_103 = tpu.memref_slice %arg8[%dma_start3A_102] : memref<100000xf32, #tpu.memory_space<vmem_shared>> -> memref<100000xf32, #tpu.memory_space<vmem_shared>>
        tpu.enqueue_indirect_dma source(%arg18 : memref<2048xf32, #tpu.memory_space<vmem>>) target(%dma_start3A_103 : memref<100000xf32, #tpu.memory_space<vmem_shared>>) offsets(%arg15 : memref<2048xi32, #tpu.memory_space<vmem>>) semaphore(%arg25 : memref<!tpu.dma_semaphore, #tpu.memory_space<semaphore_mem>>) {add = true}
      } else {
      }
      %mul3A_55 = arith.constant 3 : i32
      %mul3A_56 = arith.muli %mul3A_55, %scan3A_41 : i32
      %add3A_57 = arith.constant 1 : i32
      %add3A_58 = arith.addi %mul3A_56, %add3A_57 : i32
      %mul3A_59 = arith.constant 32 : i32
      %mul3A_60 = arith.muli %mul3A_59, %add3A_58 : i32
      %add3A_61 = arith.addi %add3A, %mul3A_60 : i32
      %lt3A_62 = arith.constant 3125 : i32
      %lt3A_63 = arith.cmpi slt, %add3A_61, %lt3A_62 : i32
      %convert_element_type3A_64 = arith.extui %lt3A_63 : i1 to i32
      %cond3A_65 = arith.constant 0 : i32
      %cond3A_66 = arith.cmpi ne, %convert_element_type3A_64, %cond3A_65 : i32
      scf.if %cond3A_66 {
        %add3A_80 = arith.constant 32 : i32
        %add3A_81 = arith.addi %add3A_61, %add3A_80 : i32
        %lt3A_82 = arith.constant 3125 : i32
        %lt3A_83 = arith.cmpi slt, %add3A_81, %lt3A_82 : i32
        %convert_element_type3A_84 = arith.extui %lt3A_83 : i1 to i32
        %cond3A_85 = arith.constant 0 : i32
        %cond3A_86 = arith.cmpi ne, %convert_element_type3A_84, %cond3A_85 : i32
        scf.if %cond3A_86 {
          %ge3A = arith.constant 1 : i32
          %ge3A_104 = arith.cmpi sge, %scan3A_41, %ge3A : i32
          %convert_element_type3A_105 = arith.extui %ge3A_104 : i1 to i32
          %cond3A_106 = arith.constant 0 : i32
          %cond3A_107 = arith.cmpi ne, %convert_element_type3A_105, %cond3A_106 : i32
          scf.if %cond3A_107 {
            %dma_wait3A_118 = arith.constant 0 : i32
            %dma_wait3A_119 = tpu.memref_slice %arg8[%dma_wait3A_118] : memref<100000xf32, #tpu.memory_space<vmem_shared>> -> memref<100000xf32, #tpu.memory_space<vmem_shared>>
            tpu.wait_indirect_dma semaphore(%arg27 : memref<!tpu.dma_semaphore, #tpu.memory_space<semaphore_mem>>) src(%arg20 : memref<2048xf32, #tpu.memory_space<vmem>>) dst(%dma_wait3A_119 : memref<100000xf32, #tpu.memory_space<vmem_shared>>)
          } else {
          }
          %add3A_108 = arith.constant 32 : i32
          %add3A_109 = arith.addi %add3A_61, %add3A_108 : i32
          %mul3A_110 = arith.constant 2048 : i32
          %mul3A_111 = arith.muli %add3A_109, %mul3A_110 : i32
          %dma_start3A_112 = tpu.memref_slice %arg3[%mul3A_111] : memref<6400000xi32, #tpu.memory_space<hbm>> -> memref<2048xi32, #tpu.memory_space<hbm>>
          %dma_start3A_113 = tpu.memref_slice %arg3[%mul3A_111] : memref<6400000xi32, #tpu.memory_space<hbm>> -> memref<2048xi32, #tpu.memory_space<hbm>>
          tpu.enqueue_dma source(%dma_start3A_113 : memref<2048xi32, #tpu.memory_space<hbm>>) target(%arg11 : memref<2048xi32, #tpu.memory_space<vmem>>) target_semaphore(%arg24 : memref<!tpu.dma_semaphore, #tpu.memory_space<semaphore_mem>>)
          %dma_start3A_114 = tpu.memref_slice %arg4[%mul3A_111] : memref<6400000xf32, #tpu.memory_space<hbm>> -> memref<2048xf32, #tpu.memory_space<hbm>>
          %dma_start3A_115 = tpu.memref_slice %arg4[%mul3A_111] : memref<6400000xf32, #tpu.memory_space<hbm>> -> memref<2048xf32, #tpu.memory_space<hbm>>
          tpu.enqueue_dma source(%dma_start3A_115 : memref<2048xf32, #tpu.memory_space<hbm>>) target(%arg14 : memref<2048xf32, #tpu.memory_space<vmem>>) target_semaphore(%arg24 : memref<!tpu.dma_semaphore, #tpu.memory_space<semaphore_mem>>)
          %dma_start3A_116 = tpu.memref_slice %arg5[%mul3A_111] : memref<6400000xi32, #tpu.memory_space<hbm>> -> memref<2048xi32, #tpu.memory_space<hbm>>
          %dma_start3A_117 = tpu.memref_slice %arg5[%mul3A_111] : memref<6400000xi32, #tpu.memory_space<hbm>> -> memref<2048xi32, #tpu.memory_space<hbm>>
          tpu.enqueue_dma source(%dma_start3A_117 : memref<2048xi32, #tpu.memory_space<hbm>>) target(%arg17 : memref<2048xi32, #tpu.memory_space<vmem>>) target_semaphore(%arg24 : memref<!tpu.dma_semaphore, #tpu.memory_space<semaphore_mem>>)
        } else {
        }
        %mul3A_87 = arith.constant 2048 : i32
        %mul3A_88 = arith.muli %add3A_61, %mul3A_87 : i32
        %dma_wait3A_89 = tpu.memref_slice %arg3[%mul3A_88] : memref<6400000xi32, #tpu.memory_space<hbm>> -> memref<2048xi32, #tpu.memory_space<hbm>>
        %dma_wait3A_90 = tpu.memref_slice %arg3[%mul3A_88] : memref<6400000xi32, #tpu.memory_space<hbm>> -> memref<2048xi32, #tpu.memory_space<hbm>>
        tpu.wait_dma2 semaphore(%arg23 : memref<!tpu.dma_semaphore, #tpu.memory_space<semaphore_mem>>) src(%dma_wait3A_90 : memref<2048xi32, #tpu.memory_space<hbm>>) dst(%arg10 : memref<2048xi32, #tpu.memory_space<vmem>>)
        %dma_wait3A_91 = tpu.memref_slice %arg4[%mul3A_88] : memref<6400000xf32, #tpu.memory_space<hbm>> -> memref<2048xf32, #tpu.memory_space<hbm>>
        %dma_wait3A_92 = tpu.memref_slice %arg4[%mul3A_88] : memref<6400000xf32, #tpu.memory_space<hbm>> -> memref<2048xf32, #tpu.memory_space<hbm>>
        tpu.wait_dma2 semaphore(%arg23 : memref<!tpu.dma_semaphore, #tpu.memory_space<semaphore_mem>>) src(%dma_wait3A_92 : memref<2048xf32, #tpu.memory_space<hbm>>) dst(%arg13 : memref<2048xf32, #tpu.memory_space<vmem>>)
        %dma_wait3A_93 = tpu.memref_slice %arg5[%mul3A_88] : memref<6400000xi32, #tpu.memory_space<hbm>> -> memref<2048xi32, #tpu.memory_space<hbm>>
        %dma_wait3A_94 = tpu.memref_slice %arg5[%mul3A_88] : memref<6400000xi32, #tpu.memory_space<hbm>> -> memref<2048xi32, #tpu.memory_space<hbm>>
        tpu.wait_dma2 semaphore(%arg23 : memref<!tpu.dma_semaphore, #tpu.memory_space<semaphore_mem>>) src(%dma_wait3A_94 : memref<2048xi32, #tpu.memory_space<hbm>>) dst(%arg16 : memref<2048xi32, #tpu.memory_space<vmem>>)
        %scan3A_95 = arith.constant 0 : i32
        %scan3A_96 = arith.constant 0 : i32
        %scan3A_97 = arith.constant 32 : i32
        %scan3A_98 = arith.addi %scan3A_96, %scan3A_97 : i32
        %scan3A_99 = arith.constant 1 : i32
        %scan3A_100 = scf.for %scan3A_104 = %scan3A_96 to %scan3A_98 step %scan3A_99 iter_args(%scan3A_105 = %scan3A_95) -> (i32)  : i32 {
          %mul3A_106 = arith.constant 64 : i32
          %mul3A_107 = arith.muli %scan3A_104, %mul3A_106 : i32
          %add3A_108 = arith.constant 0 : i32
          %add3A_109 = arith.addi %mul3A_107, %add3A_108 : i32
          %get3A = arith.index_cast %add3A_109 : i32 to index
          %get3A_110 = tpu.vector_load %arg10[%get3A] {strides = array<i32>} : memref<2048xi32, #tpu.memory_space<vmem>>, vector<16xi32>,
          %gather3A = tpu.vector_load_idx %arg7[%get3A_110] : memref<100000xf32, #tpu.memory_space<vmem>>[vector<16xi32>], vector<16xf32>,
          %get3A_111 = arith.index_cast %add3A_109 : i32 to index
          %get3A_112 = tpu.vector_load %arg13[%get3A_111] {strides = array<i32>} : memref<2048xf32, #tpu.memory_space<vmem>>, vector<16xf32>,
          %mul3A_113 = arith.mulf %get3A_112, %gather3A : vector<16xf32>
          %swap3A = arith.index_cast %add3A_109 : i32 to index
          %swap3A_114 = tpu.vector_load %arg19[%swap3A] {strides = array<i32>} : memref<2048xf32, #tpu.memory_space<vmem>>, vector<16xf32>,
          tpu.vector_store %arg19[%swap3A], %mul3A_113 {strides = array<i32>} : memref<2048xf32, #tpu.memory_space<vmem>>, vector<16xf32>,
          %mul3A_115 = arith.constant 64 : i32
          %mul3A_116 = arith.muli %scan3A_104, %mul3A_115 : i32
          %add3A_117 = arith.constant 16 : i32
          %add3A_118 = arith.addi %mul3A_116, %add3A_117 : i32
          %get3A_119 = arith.index_cast %add3A_118 : i32 to index
          %get3A_120 = tpu.vector_load %arg10[%get3A_119] {strides = array<i32>} : memref<2048xi32, #tpu.memory_space<vmem>>, vector<16xi32>,
          %gather3A_121 = tpu.vector_load_idx %arg7[%get3A_120] : memref<100000xf32, #tpu.memory_space<vmem>>[vector<16xi32>], vector<16xf32>,
          %get3A_122 = arith.index_cast %add3A_118 : i32 to index
          %get3A_123 = tpu.vector_load %arg13[%get3A_122] {strides = array<i32>} : memref<2048xf32, #tpu.memory_space<vmem>>, vector<16xf32>,
          %mul3A_124 = arith.mulf %get3A_123, %gather3A_121 : vector<16xf32>
          %swap3A_125 = arith.index_cast %add3A_118 : i32 to index
          %swap3A_126 = tpu.vector_load %arg19[%swap3A_125] {strides = array<i32>} : memref<2048xf32, #tpu.memory_space<vmem>>, vector<16xf32>,
          tpu.vector_store %arg19[%swap3A_125], %mul3A_124 {strides = array<i32>} : memref<2048xf32, #tpu.memory_space<vmem>>, vector<16xf32>,
          %mul3A_127 = arith.constant 64 : i32
          %mul3A_128 = arith.muli %scan3A_104, %mul3A_127 : i32
          %add3A_129 = arith.constant 32 : i32
          %add3A_130 = arith.addi %mul3A_128, %add3A_129 : i32
          %get3A_131 = arith.index_cast %add3A_130 : i32 to index
          %get3A_132 = tpu.vector_load %arg10[%get3A_131] {strides = array<i32>} : memref<2048xi32, #tpu.memory_space<vmem>>, vector<16xi32>,
          %gather3A_133 = tpu.vector_load_idx %arg7[%get3A_132] : memref<100000xf32, #tpu.memory_space<vmem>>[vector<16xi32>], vector<16xf32>,
          %get3A_134 = arith.index_cast %add3A_130 : i32 to index
          %get3A_135 = tpu.vector_load %arg13[%get3A_134] {strides = array<i32>} : memref<2048xf32, #tpu.memory_space<vmem>>, vector<16xf32>,
          %mul3A_136 = arith.mulf %get3A_135, %gather3A_133 : vector<16xf32>
          %swap3A_137 = arith.index_cast %add3A_130 : i32 to index
          %swap3A_138 = tpu.vector_load %arg19[%swap3A_137] {strides = array<i32>} : memref<2048xf32, #tpu.memory_space<vmem>>, vector<16xf32>,
          tpu.vector_store %arg19[%swap3A_137], %mul3A_136 {strides = array<i32>} : memref<2048xf32, #tpu.memory_space<vmem>>, vector<16xf32>,
          %mul3A_139 = arith.constant 64 : i32
          %mul3A_140 = arith.muli %scan3A_104, %mul3A_139 : i32
          %add3A_141 = arith.constant 48 : i32
          %add3A_142 = arith.addi %mul3A_140, %add3A_141 : i32
          %get3A_143 = arith.index_cast %add3A_142 : i32 to index
          %get3A_144 = tpu.vector_load %arg10[%get3A_143] {strides = array<i32>} : memref<2048xi32, #tpu.memory_space<vmem>>, vector<16xi32>,
          %gather3A_145 = tpu.vector_load_idx %arg7[%get3A_144] : memref<100000xf32, #tpu.memory_space<vmem>>[vector<16xi32>], vector<16xf32>,
          %get3A_146 = arith.index_cast %add3A_142 : i32 to index
          %get3A_147 = tpu.vector_load %arg13[%get3A_146] {strides = array<i32>} : memref<2048xf32, #tpu.memory_space<vmem>>, vector<16xf32>,
          %mul3A_148 = arith.mulf %get3A_147, %gather3A_145 : vector<16xf32>
          %swap3A_149 = arith.index_cast %add3A_142 : i32 to index
          %swap3A_150 = tpu.vector_load %arg19[%swap3A_149] {strides = array<i32>} : memref<2048xf32, #tpu.memory_space<vmem>>, vector<16xf32>,
          tpu.vector_store %arg19[%swap3A_149], %mul3A_148 {strides = array<i32>} : memref<2048xf32, #tpu.memory_space<vmem>>, vector<16xf32>,
          %scan3A_151 = arith.constant 0 : i32
          scf.yield %scan3A_151 : i32
        }
        %scan3A_101 = arith.constant 32 : i32
        %dma_start3A_102 = arith.constant 0 : i32
        %dma_start3A_103 = tpu.memref_slice %arg8[%dma_start3A_102] : memref<100000xf32, #tpu.memory_space<vmem_shared>> -> memref<100000xf32, #tpu.memory_space<vmem_shared>>
        tpu.enqueue_indirect_dma source(%arg19 : memref<2048xf32, #tpu.memory_space<vmem>>) target(%dma_start3A_103 : memref<100000xf32, #tpu.memory_space<vmem_shared>>) offsets(%arg16 : memref<2048xi32, #tpu.memory_space<vmem>>) semaphore(%arg26 : memref<!tpu.dma_semaphore, #tpu.memory_space<semaphore_mem>>) {add = true}
      } else {
      }
      %mul3A_67 = arith.constant 3 : i32
      %mul3A_68 = arith.muli %mul3A_67, %scan3A_41 : i32
      %add3A_69 = arith.constant 2 : i32
      %add3A_70 = arith.addi %mul3A_68, %add3A_69 : i32
      %mul3A_71 = arith.constant 32 : i32
      %mul3A_72 = arith.muli %mul3A_71, %add3A_70 : i32
      %add3A_73 = arith.addi %add3A, %mul3A_72 : i32
      %lt3A_74 = arith.constant 3125 : i32
      %lt3A_75 = arith.cmpi slt, %add3A_73, %lt3A_74 : i32
      %convert_element_type3A_76 = arith.extui %lt3A_75 : i1 to i32
      %cond3A_77 = arith.constant 0 : i32
      %cond3A_78 = arith.cmpi ne, %convert_element_type3A_76, %cond3A_77 : i32
      scf.if %cond3A_78 {
        %add3A_80 = arith.constant 32 : i32
        %add3A_81 = arith.addi %add3A_73, %add3A_80 : i32
        %lt3A_82 = arith.constant 3125 : i32
        %lt3A_83 = arith.cmpi slt, %add3A_81, %lt3A_82 : i32
        %convert_element_type3A_84 = arith.extui %lt3A_83 : i1 to i32
        %cond3A_85 = arith.constant 0 : i32
        %cond3A_86 = arith.cmpi ne, %convert_element_type3A_84, %cond3A_85 : i32
        scf.if %cond3A_86 {
          %dma_wait3A_104 = arith.constant 0 : i32
          %dma_wait3A_105 = tpu.memref_slice %arg8[%dma_wait3A_104] : memref<100000xf32, #tpu.memory_space<vmem_shared>> -> memref<100000xf32, #tpu.memory_space<vmem_shared>>
          tpu.wait_indirect_dma semaphore(%arg25 : memref<!tpu.dma_semaphore, #tpu.memory_space<semaphore_mem>>) src(%arg18 : memref<2048xf32, #tpu.memory_space<vmem>>) dst(%dma_wait3A_105 : memref<100000xf32, #tpu.memory_space<vmem_shared>>)
          %add3A_106 = arith.constant 32 : i32
          %add3A_107 = arith.addi %add3A_73, %add3A_106 : i32
          %mul3A_108 = arith.constant 2048 : i32
          %mul3A_109 = arith.muli %add3A_107, %mul3A_108 : i32
          %dma_start3A_110 = tpu.memref_slice %arg3[%mul3A_109] : memref<6400000xi32, #tpu.memory_space<hbm>> -> memref<2048xi32, #tpu.memory_space<hbm>>
          %dma_start3A_111 = tpu.memref_slice %arg3[%mul3A_109] : memref<6400000xi32, #tpu.memory_space<hbm>> -> memref<2048xi32, #tpu.memory_space<hbm>>
          tpu.enqueue_dma source(%dma_start3A_111 : memref<2048xi32, #tpu.memory_space<hbm>>) target(%arg9 : memref<2048xi32, #tpu.memory_space<vmem>>) target_semaphore(%arg22 : memref<!tpu.dma_semaphore, #tpu.memory_space<semaphore_mem>>)
          %dma_start3A_112 = tpu.memref_slice %arg4[%mul3A_109] : memref<6400000xf32, #tpu.memory_space<hbm>> -> memref<2048xf32, #tpu.memory_space<hbm>>
          %dma_start3A_113 = tpu.memref_slice %arg4[%mul3A_109] : memref<6400000xf32, #tpu.memory_space<hbm>> -> memref<2048xf32, #tpu.memory_space<hbm>>
          tpu.enqueue_dma source(%dma_start3A_113 : memref<2048xf32, #tpu.memory_space<hbm>>) target(%arg12 : memref<2048xf32, #tpu.memory_space<vmem>>) target_semaphore(%arg22 : memref<!tpu.dma_semaphore, #tpu.memory_space<semaphore_mem>>)
          %dma_start3A_114 = tpu.memref_slice %arg5[%mul3A_109] : memref<6400000xi32, #tpu.memory_space<hbm>> -> memref<2048xi32, #tpu.memory_space<hbm>>
          %dma_start3A_115 = tpu.memref_slice %arg5[%mul3A_109] : memref<6400000xi32, #tpu.memory_space<hbm>> -> memref<2048xi32, #tpu.memory_space<hbm>>
          tpu.enqueue_dma source(%dma_start3A_115 : memref<2048xi32, #tpu.memory_space<hbm>>) target(%arg15 : memref<2048xi32, #tpu.memory_space<vmem>>) target_semaphore(%arg22 : memref<!tpu.dma_semaphore, #tpu.memory_space<semaphore_mem>>)
        } else {
        }
        %mul3A_87 = arith.constant 2048 : i32
        %mul3A_88 = arith.muli %add3A_73, %mul3A_87 : i32
        %dma_wait3A_89 = tpu.memref_slice %arg3[%mul3A_88] : memref<6400000xi32, #tpu.memory_space<hbm>> -> memref<2048xi32, #tpu.memory_space<hbm>>
        %dma_wait3A_90 = tpu.memref_slice %arg3[%mul3A_88] : memref<6400000xi32, #tpu.memory_space<hbm>> -> memref<2048xi32, #tpu.memory_space<hbm>>
        tpu.wait_dma2 semaphore(%arg24 : memref<!tpu.dma_semaphore, #tpu.memory_space<semaphore_mem>>) src(%dma_wait3A_90 : memref<2048xi32, #tpu.memory_space<hbm>>) dst(%arg11 : memref<2048xi32, #tpu.memory_space<vmem>>)
        %dma_wait3A_91 = tpu.memref_slice %arg4[%mul3A_88] : memref<6400000xf32, #tpu.memory_space<hbm>> -> memref<2048xf32, #tpu.memory_space<hbm>>
        %dma_wait3A_92 = tpu.memref_slice %arg4[%mul3A_88] : memref<6400000xf32, #tpu.memory_space<hbm>> -> memref<2048xf32, #tpu.memory_space<hbm>>
        tpu.wait_dma2 semaphore(%arg24 : memref<!tpu.dma_semaphore, #tpu.memory_space<semaphore_mem>>) src(%dma_wait3A_92 : memref<2048xf32, #tpu.memory_space<hbm>>) dst(%arg14 : memref<2048xf32, #tpu.memory_space<vmem>>)
        %dma_wait3A_93 = tpu.memref_slice %arg5[%mul3A_88] : memref<6400000xi32, #tpu.memory_space<hbm>> -> memref<2048xi32, #tpu.memory_space<hbm>>
        %dma_wait3A_94 = tpu.memref_slice %arg5[%mul3A_88] : memref<6400000xi32, #tpu.memory_space<hbm>> -> memref<2048xi32, #tpu.memory_space<hbm>>
        tpu.wait_dma2 semaphore(%arg24 : memref<!tpu.dma_semaphore, #tpu.memory_space<semaphore_mem>>) src(%dma_wait3A_94 : memref<2048xi32, #tpu.memory_space<hbm>>) dst(%arg17 : memref<2048xi32, #tpu.memory_space<vmem>>)
        %scan3A_95 = arith.constant 0 : i32
        %scan3A_96 = arith.constant 0 : i32
        %scan3A_97 = arith.constant 32 : i32
        %scan3A_98 = arith.addi %scan3A_96, %scan3A_97 : i32
        %scan3A_99 = arith.constant 1 : i32
        %scan3A_100 = scf.for %scan3A_104 = %scan3A_96 to %scan3A_98 step %scan3A_99 iter_args(%scan3A_105 = %scan3A_95) -> (i32)  : i32 {
          %mul3A_106 = arith.constant 64 : i32
          %mul3A_107 = arith.muli %scan3A_104, %mul3A_106 : i32
          %add3A_108 = arith.constant 0 : i32
          %add3A_109 = arith.addi %mul3A_107, %add3A_108 : i32
          %get3A = arith.index_cast %add3A_109 : i32 to index
          %get3A_110 = tpu.vector_load %arg11[%get3A] {strides = array<i32>} : memref<2048xi32, #tpu.memory_space<vmem>>, vector<16xi32>,
          %gather3A = tpu.vector_load_idx %arg7[%get3A_110] : memref<100000xf32, #tpu.memory_space<vmem>>[vector<16xi32>], vector<16xf32>,
          %get3A_111 = arith.index_cast %add3A_109 : i32 to index
          %get3A_112 = tpu.vector_load %arg14[%get3A_111] {strides = array<i32>} : memref<2048xf32, #tpu.memory_space<vmem>>, vector<16xf32>,
          %mul3A_113 = arith.mulf %get3A_112, %gather3A : vector<16xf32>
          %swap3A = arith.index_cast %add3A_109 : i32 to index
          %swap3A_114 = tpu.vector_load %arg20[%swap3A] {strides = array<i32>} : memref<2048xf32, #tpu.memory_space<vmem>>, vector<16xf32>,
          tpu.vector_store %arg20[%swap3A], %mul3A_113 {strides = array<i32>} : memref<2048xf32, #tpu.memory_space<vmem>>, vector<16xf32>,
          %mul3A_115 = arith.constant 64 : i32
          %mul3A_116 = arith.muli %scan3A_104, %mul3A_115 : i32
          %add3A_117 = arith.constant 16 : i32
          %add3A_118 = arith.addi %mul3A_116, %add3A_117 : i32
          %get3A_119 = arith.index_cast %add3A_118 : i32 to index
          %get3A_120 = tpu.vector_load %arg11[%get3A_119] {strides = array<i32>} : memref<2048xi32, #tpu.memory_space<vmem>>, vector<16xi32>,
          %gather3A_121 = tpu.vector_load_idx %arg7[%get3A_120] : memref<100000xf32, #tpu.memory_space<vmem>>[vector<16xi32>], vector<16xf32>,
          %get3A_122 = arith.index_cast %add3A_118 : i32 to index
          %get3A_123 = tpu.vector_load %arg14[%get3A_122] {strides = array<i32>} : memref<2048xf32, #tpu.memory_space<vmem>>, vector<16xf32>,
          %mul3A_124 = arith.mulf %get3A_123, %gather3A_121 : vector<16xf32>
          %swap3A_125 = arith.index_cast %add3A_118 : i32 to index
          %swap3A_126 = tpu.vector_load %arg20[%swap3A_125] {strides = array<i32>} : memref<2048xf32, #tpu.memory_space<vmem>>, vector<16xf32>,
          tpu.vector_store %arg20[%swap3A_125], %mul3A_124 {strides = array<i32>} : memref<2048xf32, #tpu.memory_space<vmem>>, vector<16xf32>,
          %mul3A_127 = arith.constant 64 : i32
          %mul3A_128 = arith.muli %scan3A_104, %mul3A_127 : i32
          %add3A_129 = arith.constant 32 : i32
          %add3A_130 = arith.addi %mul3A_128, %add3A_129 : i32
          %get3A_131 = arith.index_cast %add3A_130 : i32 to index
          %get3A_132 = tpu.vector_load %arg11[%get3A_131] {strides = array<i32>} : memref<2048xi32, #tpu.memory_space<vmem>>, vector<16xi32>,
          %gather3A_133 = tpu.vector_load_idx %arg7[%get3A_132] : memref<100000xf32, #tpu.memory_space<vmem>>[vector<16xi32>], vector<16xf32>,
          %get3A_134 = arith.index_cast %add3A_130 : i32 to index
          %get3A_135 = tpu.vector_load %arg14[%get3A_134] {strides = array<i32>} : memref<2048xf32, #tpu.memory_space<vmem>>, vector<16xf32>,
          %mul3A_136 = arith.mulf %get3A_135, %gather3A_133 : vector<16xf32>
          %swap3A_137 = arith.index_cast %add3A_130 : i32 to index
          %swap3A_138 = tpu.vector_load %arg20[%swap3A_137] {strides = array<i32>} : memref<2048xf32, #tpu.memory_space<vmem>>, vector<16xf32>,
          tpu.vector_store %arg20[%swap3A_137], %mul3A_136 {strides = array<i32>} : memref<2048xf32, #tpu.memory_space<vmem>>, vector<16xf32>,
          %mul3A_139 = arith.constant 64 : i32
          %mul3A_140 = arith.muli %scan3A_104, %mul3A_139 : i32
          %add3A_141 = arith.constant 48 : i32
          %add3A_142 = arith.addi %mul3A_140, %add3A_141 : i32
          %get3A_143 = arith.index_cast %add3A_142 : i32 to index
          %get3A_144 = tpu.vector_load %arg11[%get3A_143] {strides = array<i32>} : memref<2048xi32, #tpu.memory_space<vmem>>, vector<16xi32>,
          %gather3A_145 = tpu.vector_load_idx %arg7[%get3A_144] : memref<100000xf32, #tpu.memory_space<vmem>>[vector<16xi32>], vector<16xf32>,
          %get3A_146 = arith.index_cast %add3A_142 : i32 to index
          %get3A_147 = tpu.vector_load %arg14[%get3A_146] {strides = array<i32>} : memref<2048xf32, #tpu.memory_space<vmem>>, vector<16xf32>,
          %mul3A_148 = arith.mulf %get3A_147, %gather3A_145 : vector<16xf32>
          %swap3A_149 = arith.index_cast %add3A_142 : i32 to index
          %swap3A_150 = tpu.vector_load %arg20[%swap3A_149] {strides = array<i32>} : memref<2048xf32, #tpu.memory_space<vmem>>, vector<16xf32>,
          tpu.vector_store %arg20[%swap3A_149], %mul3A_148 {strides = array<i32>} : memref<2048xf32, #tpu.memory_space<vmem>>, vector<16xf32>,
          %scan3A_151 = arith.constant 0 : i32
          scf.yield %scan3A_151 : i32
        }
        %scan3A_101 = arith.constant 32 : i32
        %dma_start3A_102 = arith.constant 0 : i32
        %dma_start3A_103 = tpu.memref_slice %arg8[%dma_start3A_102] : memref<100000xf32, #tpu.memory_space<vmem_shared>> -> memref<100000xf32, #tpu.memory_space<vmem_shared>>
        tpu.enqueue_indirect_dma source(%arg20 : memref<2048xf32, #tpu.memory_space<vmem>>) target(%dma_start3A_103 : memref<100000xf32, #tpu.memory_space<vmem_shared>>) offsets(%arg17 : memref<2048xi32, #tpu.memory_space<vmem>>) semaphore(%arg27 : memref<!tpu.dma_semaphore, #tpu.memory_space<semaphore_mem>>) {add = true}
      } else {
      }
      %scan3A_79 = arith.constant 0 : i32
      scf.yield %scan3A_79 : i32
    }
    %scan3A_29 = arith.constant 33 : i32
    %dma_wait3A_30 = arith.constant 0 : i32
    %dma_wait3A_31 = tpu.memref_slice %arg8[%dma_wait3A_30] : memref<100000xf32, #tpu.memory_space<vmem_shared>> -> memref<100000xf32, #tpu.memory_space<vmem_shared>>
    tpu.wait_indirect_dma semaphore(%arg25 : memref<!tpu.dma_semaphore, #tpu.memory_space<semaphore_mem>>) src(%arg18 : memref<2048xf32, #tpu.memory_space<vmem>>) dst(%dma_wait3A_31 : memref<100000xf32, #tpu.memory_space<vmem_shared>>)
    %dma_wait3A_32 = arith.constant 0 : i32
    %dma_wait3A_33 = tpu.memref_slice %arg8[%dma_wait3A_32] : memref<100000xf32, #tpu.memory_space<vmem_shared>> -> memref<100000xf32, #tpu.memory_space<vmem_shared>>
    tpu.wait_indirect_dma semaphore(%arg26 : memref<!tpu.dma_semaphore, #tpu.memory_space<semaphore_mem>>) src(%arg19 : memref<2048xf32, #tpu.memory_space<vmem>>) dst(%dma_wait3A_33 : memref<100000xf32, #tpu.memory_space<vmem_shared>>)
    %dma_wait3A_34 = arith.constant 0 : i32
    %dma_wait3A_35 = tpu.memref_slice %arg8[%dma_wait3A_34] : memref<100000xf32, #tpu.memory_space<vmem_shared>> -> memref<100000xf32, #tpu.memory_space<vmem_shared>>
    tpu.wait_indirect_dma semaphore(%arg27 : memref<!tpu.dma_semaphore, #tpu.memory_space<semaphore_mem>>) src(%arg20 : memref<2048xf32, #tpu.memory_space<vmem>>) dst(%dma_wait3A_35 : memref<100000xf32, #tpu.memory_space<vmem_shared>>)
    %barrier3A_36 = arith.constant 0 : index
    tpu.barrier barrier_id(%barrier3A_36)
    %lt3A = arith.constant 4 : i32
    %lt3A_37 = arith.cmpi slt, %arg1, %lt3A : i32
    %convert_element_type3A_38 = arith.extui %lt3A_37 : i1 to i32
    %cond3A_39 = arith.constant 0 : i32
    %cond3A_40 = arith.cmpi ne, %convert_element_type3A_38, %cond3A_39 : i32
    scf.if %cond3A_40 {
      %mul3A_41 = arith.constant 25000 : i32
      %mul3A_42 = arith.muli %arg1, %mul3A_41 : i32
      "tpu.region"() ({
        %run_scoped3A = tpu.sem_alloc : memref<!tpu.dma_semaphore, #tpu.memory_space<semaphore_mem>>
        %dma_start3A_48 = arith.constant 0 : i32
        %dma_start3A_49 = tpu.memref_slice %arg7[%dma_start3A_48] : memref<100000xf32, #tpu.memory_space<vmem>> -> memref<25000xf32, #tpu.memory_space<vmem>>
        %dma_start3A_50 = tpu.memref_slice %arg8[%mul3A_42] : memref<100000xf32, #tpu.memory_space<vmem_shared>> -> memref<25000xf32, #tpu.memory_space<vmem_shared>>
        %dma_start3A_51 = arith.constant 0 : i32
        %dma_start3A_52 = tpu.memref_slice %arg7[%dma_start3A_51] : memref<100000xf32, #tpu.memory_space<vmem>> -> memref<25000xf32, #tpu.memory_space<vmem>>
        %dma_start3A_53 = tpu.memref_slice %arg8[%mul3A_42] : memref<100000xf32, #tpu.memory_space<vmem_shared>> -> memref<25000xf32, #tpu.memory_space<vmem_shared>>
        tpu.enqueue_dma source(%dma_start3A_53 : memref<25000xf32, #tpu.memory_space<vmem_shared>>) target(%dma_start3A_52 : memref<25000xf32, #tpu.memory_space<vmem>>) target_semaphore(%run_scoped3A : memref<!tpu.dma_semaphore, #tpu.memory_space<semaphore_mem>>)
        %dma_wait3A_54 = arith.constant 0 : i32
        %dma_wait3A_55 = tpu.memref_slice %arg7[%dma_wait3A_54] : memref<100000xf32, #tpu.memory_space<vmem>> -> memref<25000xf32, #tpu.memory_space<vmem>>
        %dma_wait3A_56 = tpu.memref_slice %arg8[%mul3A_42] : memref<100000xf32, #tpu.memory_space<vmem_shared>> -> memref<25000xf32, #tpu.memory_space<vmem_shared>>
        %dma_wait3A_57 = arith.constant 0 : i32
        %dma_wait3A_58 = tpu.memref_slice %arg7[%dma_wait3A_57] : memref<100000xf32, #tpu.memory_space<vmem>> -> memref<25000xf32, #tpu.memory_space<vmem>>
        %dma_wait3A_59 = tpu.memref_slice %arg8[%mul3A_42] : memref<100000xf32, #tpu.memory_space<vmem_shared>> -> memref<25000xf32, #tpu.memory_space<vmem_shared>>
        tpu.wait_dma2 semaphore(%run_scoped3A : memref<!tpu.dma_semaphore, #tpu.memory_space<semaphore_mem>>) src(%dma_wait3A_59 : memref<25000xf32, #tpu.memory_space<vmem_shared>>) dst(%dma_wait3A_58 : memref<25000xf32, #tpu.memory_space<vmem>>)
        tpu.yield
      }) : () -> ()
      %mul3A_43 = arith.constant 100352 : i32
      %mul3A_44 = arith.muli %arg0, %mul3A_43 : i32
      %mul3A_45 = arith.constant 25000 : i32
      %mul3A_46 = arith.muli %arg1, %mul3A_45 : i32
      %add3A_47 = arith.addi %mul3A_44, %mul3A_46 : i32
      "tpu.region"() ({
        %run_scoped3A = tpu.sem_alloc : memref<!tpu.dma_semaphore, #tpu.memory_space<semaphore_mem>>
        %dma_start3A_48 = arith.constant 0 : i32
        %dma_start3A_49 = tpu.memref_slice %arg7[%dma_start3A_48] : memref<100000xf32, #tpu.memory_space<vmem>> -> memref<25000xf32, #tpu.memory_space<vmem>>
        %dma_start3A_50 = tpu.memref_slice %arg6[%add3A_47] : memref<200704xf32, #tpu.memory_space<hbm>> -> memref<25000xf32, #tpu.memory_space<hbm>>
        %dma_start3A_51 = tpu.memref_slice %arg6[%add3A_47] : memref<200704xf32, #tpu.memory_space<hbm>> -> memref<25000xf32, #tpu.memory_space<hbm>>
        %dma_start3A_52 = arith.constant 0 : i32
        %dma_start3A_53 = tpu.memref_slice %arg7[%dma_start3A_52] : memref<100000xf32, #tpu.memory_space<vmem>> -> memref<25000xf32, #tpu.memory_space<vmem>>
        tpu.enqueue_dma source(%dma_start3A_53 : memref<25000xf32, #tpu.memory_space<vmem>>) target(%dma_start3A_51 : memref<25000xf32, #tpu.memory_space<hbm>>) target_semaphore(%run_scoped3A : memref<!tpu.dma_semaphore, #tpu.memory_space<semaphore_mem>>)
        %dma_wait3A_54 = arith.constant 0 : i32
        %dma_wait3A_55 = tpu.memref_slice %arg7[%dma_wait3A_54] : memref<100000xf32, #tpu.memory_space<vmem>> -> memref<25000xf32, #tpu.memory_space<vmem>>
        %dma_wait3A_56 = tpu.memref_slice %arg6[%add3A_47] : memref<200704xf32, #tpu.memory_space<hbm>> -> memref<25000xf32, #tpu.memory_space<hbm>>
        %dma_wait3A_57 = tpu.memref_slice %arg6[%add3A_47] : memref<200704xf32, #tpu.memory_space<hbm>> -> memref<25000xf32, #tpu.memory_space<hbm>>
        %dma_wait3A_58 = arith.constant 0 : i32
        %dma_wait3A_59 = tpu.memref_slice %arg7[%dma_wait3A_58] : memref<100000xf32, #tpu.memory_space<vmem>> -> memref<25000xf32, #tpu.memory_space<vmem>>
        tpu.wait_dma2 semaphore(%run_scoped3A : memref<!tpu.dma_semaphore, #tpu.memory_space<semaphore_mem>>) src(%dma_wait3A_59 : memref<25000xf32, #tpu.memory_space<vmem>>) dst(%dma_wait3A_57 : memref<25000xf32, #tpu.memory_space<hbm>>)
        tpu.yield
      }) : () -> ()
    } else {
    }
    return
  }
}

module attributes {stable_mosaic.version = 14 : i64} {
  func.func @upd(%arg0: memref<784x128xf32, #tpu.memory_space<vmem>>, %arg1: memref<784x128xf32, #tpu.memory_space<vmem>>, %arg2: memref<784x128xf32, #tpu.memory_space<vmem>>) attributes {dimension_semantics = [], scalar_prefetch = 0 : i64, scratch_operands = 0 : i64, tpu.core_type = #tpu.core_type<tc>} {
    %get3A = arith.constant 0 : index
    %get3A_0 = arith.constant 0 : index
    %get3A_1 = vector.load %arg0[%get3A, %get3A_0] : memref<784x128xf32, #tpu.memory_space<vmem>>, vector<784x128xf32>
    %mul3A = arith.constant 0.951229453 : f32
    %mul3A_2 = vector.broadcast %mul3A : f32 to vector<784x128xf32>
    %mul3A_3 = arith.mulf %get3A_1, %mul3A_2 : vector<784x128xf32>
    %get3A_4 = arith.constant 0 : index
    %get3A_5 = arith.constant 0 : index
    %get3A_6 = vector.load %arg1[%get3A_4, %get3A_5] : memref<784x128xf32, #tpu.memory_space<vmem>>, vector<784x128xf32>
    %add3A = arith.addf %mul3A_3, %get3A_6 : vector<784x128xf32>
    %swap3A = arith.constant 0 : index
    %swap3A_7 = arith.constant 0 : index
    %swap3A_8 = vector.load %arg2[%swap3A, %swap3A_7] : memref<784x128xf32, #tpu.memory_space<vmem>>, vector<784x128xf32>
    tpu.vector_store %arg2[%swap3A, %swap3A_7], %add3A {strides = array<i32>} : memref<784x128xf32, #tpu.memory_space<vmem>>, vector<784x128xf32>,
    return
  }
}

module attributes {stable_mosaic.version = 14 : i64} {
  func.func @fin(%arg0: memref<2x784x128xf32, #tpu.memory_space<vmem>>, %arg1: memref<784x128xf32, #tpu.memory_space<vmem>>, %arg2: memref<784x128xf32, #tpu.memory_space<vmem>>) attributes {dimension_semantics = [], scalar_prefetch = 0 : i64, scratch_operands = 0 : i64, tpu.core_type = #tpu.core_type<tc>} {
    %get3A = arith.constant 0 : index
    %get3A_0 = arith.constant 0 : index
    %get3A_1 = arith.constant 0 : index
    %get3A_2 = vector.load %arg0[%get3A, %get3A_0, %get3A_1] : memref<2x784x128xf32, #tpu.memory_space<vmem>>, vector<1x784x128xf32>
    %get3A_3 = vector.shape_cast %get3A_2 : vector<1x784x128xf32> to vector<784x128xf32>
    %get3A_4 = arith.constant 1 : index
    %get3A_5 = arith.constant 0 : index
    %get3A_6 = arith.constant 0 : index
    %get3A_7 = vector.load %arg0[%get3A_4, %get3A_5, %get3A_6] : memref<2x784x128xf32, #tpu.memory_space<vmem>>, vector<1x784x128xf32>
    %get3A_8 = vector.shape_cast %get3A_7 : vector<1x784x128xf32> to vector<784x128xf32>
    %add3A = arith.addf %get3A_3, %get3A_8 : vector<784x128xf32>
    %mul3A = arith.constant 1.000000e+00 : f32
    %mul3A_9 = vector.broadcast %mul3A : f32 to vector<784x128xf32>
    %mul3A_10 = arith.mulf %mul3A_9, %add3A : vector<784x128xf32>
    %get3A_11 = arith.constant 0 : index
    %get3A_12 = arith.constant 0 : index
    %get3A_13 = vector.load %arg1[%get3A_11, %get3A_12] : memref<784x128xf32, #tpu.memory_space<vmem>>, vector<784x128xf32>
    %sub3A = arith.constant 0.000000e+00 : f32
    %sub3A_14 = vector.broadcast %sub3A : f32 to vector<784x128xf32>
    %sub3A_15 = arith.subf %sub3A_14, %get3A_13 : vector<784x128xf32>
    %mul3A_16 = arith.mulf %mul3A_10, %sub3A_15 : vector<784x128xf32>
    %swap3A = arith.constant 0 : index
    %swap3A_17 = arith.constant 0 : index
    %swap3A_18 = vector.load %arg2[%swap3A, %swap3A_17] : memref<784x128xf32, #tpu.memory_space<vmem>>, vector<784x128xf32>
    tpu.vector_store %arg2[%swap3A, %swap3A_17], %mul3A_16 {strides = array<i32>} : memref<784x128xf32, #tpu.memory_space<vmem>>, vector<784x128xf32>,
    return
  }
}

</mosaic_0001>

<sc_bundles>
// kernel: kernel.5.cloned.1.call-start
scs
__scs_entry_jumppad:
0x0: {  	(pc) =	sbr.rel $0x88, $3  }
0x1: {  	(tag) =	ssettag $0x0;
	lr =	simm.s32 $0x1  }
0x2: {  	[smem:$0x3F9B] =	sst lr;
	_ =	strace $0xD0000000  }
0x3: {  	_ = 	snop  }
0x4: {  	_ = 	snop  }
0x5: {  	_ = 	snop  }
0x6: {  	_ = 	snop  }
0x7: {  	_ = 	snop  }
__scs_overlays_trampoline_lowered:
0x8: {  	[smem:$0x3FAA] =	sst s0  }
0x9: {  	[smem:$0x3FAB] =	sst s1  }
0xa: {  	[smem:$0x3FAC] =	sst s2  }
0xb: {  	[smem:$0x3FAD] =	sst s3  }
0xc: {  	[smem:$0x3FAE] =	sst s4  }
0xd: {  	[smem:$0x3FAF] =	sst s5  }
0xe: {  	[smem:$0x3FB0] =	sst s6  }
0xf: {  	[smem:$0x3FB1] =	sst s7  }
0x10: {  	[smem:$0x3FB2] =	sst s8  }
0x11: {  	[smem:$0x3FB3] =	sst s9;
	s0 =	simm.s32 @!p0 $0x0  }
0x12: {  	s1 =	sld [smem:$0x3F99];
	s0 =	simm.s32 @p0 $0x1  }
0x13: {  	[smem:$0x3FB4] =	sst s0;
	s0 =	simm.s32 @!p1 $0x0  }
0x14: {  	s2 =	sld [smem:$0x3F98];
	s0 =	simm.s32 @p1 $0x1  }
0x15: {  	[smem:$0x3FB5] =	sst s0;
	s0 =	simm.s32 @!p2 $0x0  }
0x16: {  	s3 =	sld [smem:$0x3FDB];
	s0 =	simm.s32 @p2 $0x1  }
0x17: {  	s4 =	simm.s32 $0x1BF5;
	[smem:$0x3FB7] =	sst s0  }
0x18: {  	s0 =	sld [smem:$0x3F9A];
	_ =	swait.ge [sflag:s4], $0x0  }
0x19: {  	s7 =	sld [smem:$0x3F9B]  }
0x1a: {  	s8 =	sadd.s32 $0xFFFFE003, lr  }
0x1b: {  	s9 =	sadd.s32 $0xFFFFFEF7, lr;
	s5 =	simm.s32 $0xFFFFFFFF;
	p2 =	slt.u32 s8, $0xFFFFF086  }
0x1c: {  	p1 =	slt.u32 s9, $0xF7A;
	s5 =	simm.s32 @!p2 $0x0  }
0x1d: {  	s5 =	simm.s32 @p1 $0x1;
	p0 =	seq.s32 s7, s2  }
0x1e: {  	s7 =	smul.u32 @!p0 $0xF7A, s2;
	p2 =	seq.s32 @!p0 s5, $0x0  }
0x1f: {  	s9 =	smul.u32 $0xF7A, s1;
	s8 =	simm.s32 @!p0 $0x1BF5;
	p2 =	por !p2, p0  }
0x20: {  	[sflag:s8] =	ssyncset.s32 @!p0 $0xFFFFF086;
	s6 =	sadd.s32 @!p0 s3, s7;
	s7 =	simm.s32 @!p0 $0x108  }
0x21: {  	s3 =	sadd.s32 s3, s9;
	s6 =	sadd.s32 @!p0 $0x88, s6;
	s7 =	simm.s32 @p2 $0x1082  }
0x22: {  	[simem:s7], [sflag:s8] =	dma.local @!p0 [hbm:s6], $0xF7A  }
0x23: {  	s9 =	sor.u32 $0xD0000000, s2;
	s6 =	simm.s32 $0x108;
	_ =	swait.ge @!p0 [sflag:s8], $0x0  }
0x24: {  	s3 =	sadd.s32 $0x88, s3;
	s6 =	simm.s32 @!p1 $0x1082;
	[sflag:s4] =	ssyncset.s32 $0xFFFFF086  }
0x25: {  	[simem:s6], [sflag:s4] =	dma.local [hbm:s3], $0xF7A  }
0x26: {  	[smem:$0x3F9B] =	sst s1;
	(tag) =	ssettag s2;
	_ =	strace s9  }
0x27: {  	s1 =	sld [smem:$0x3FAB]  }
0x28: {  	s2 =	sld [smem:$0x3FAC]  }
0x29: {  	s4 =	sld [smem:$0x3FAE]  }
0x2a: {  	p0 =	seq.s32 s5, $0x0;
	s5 =	sld [smem:$0x3FAF]  }
0x2b: {  	s6 =	sld [smem:$0x3FB0]  }
0x2c: {  	s7 =	sld [smem:$0x3FB1]  }
0x2d: {  	s3 =	simm.s32 $0x108;
	s8 =	sld [smem:$0x3FB2]  }
0x2e: {  	s3 =	simm.s32 @!p0 $0x1082;
	s9 =	sld [smem:$0x3FB3]  }
0x2f: {  	lr =	sadd.s32 s0, s3;
	s0 =	sld [smem:$0x3FAA]  }
0x30: {  	s3 =	sld [smem:$0x3FAD]  }
0x31: {  	[smem:$0x3FB6] =	sst s10  }
0x32: {  	s10 =	sld [smem:$0x3FB4];
	_ =	sdelay $0x3  }
0x33: {  	p0 =	seq.s32 s10, $0x1;
	s10 =	sld [smem:$0x3FB6];
	_ =	sdelay $0x3  }
0x34: {  	[smem:$0x3FB6] =	sst s10  }
0x35: {  	s10 =	sld [smem:$0x3FB5];
	_ =	sdelay $0x3  }
0x36: {  	p1 =	seq.s32 s10, $0x1;
	s10 =	sld [smem:$0x3FB6];
	_ =	sdelay $0x3  }
0x37: {  	[smem:$0x3FB6] =	sst s10  }
0x38: {  	s10 =	sld [smem:$0x3FB7]  }
0x39: {  	_ = 	snop;
	(pc) =	sbr.ind lr, $3  }
0x3a: {  	_ = 	snop  }
0x3b: {  	_ = 	snop  }
0x3c: {  	p2 =	seq.s32 s10, $0x1;
	s10 =	sld [smem:$0x3FB6]  }
0x3d: {  	_ =	shalt  }
0x3e: {  	_ =	shalt  }
0x3f: {  	_ =	shalt  }
0x40: {  	_ =	shalt  }
0x41: {  	_ =	shalt  }
0x42: {  	_ =	shalt  }
0x43: {  	_ =	shalt  }
0x44: {  	_ =	shalt  }
0x45: {  	_ =	shalt  }
0x46: {  	_ =	shalt  }
0x47: {  	_ =	shalt  }
0x48: {  	_ =	shalt  }
0x49: {  	_ =	shalt  }
0x4a: {  	_ =	shalt  }
0x4b: {  	_ =	shalt  }
0x4c: {  	_ =	shalt  }
0x4d: {  	_ =	shalt  }
0x4e: {  	_ =	shalt  }
0x4f: {  	_ =	shalt  }
0x50: {  	_ =	shalt  }
0x51: {  	_ =	shalt  }
0x52: {  	_ =	shalt  }
0x53: {  	_ =	shalt  }
0x54: {  	_ =	shalt  }
0x55: {  	_ =	shalt  }
0x56: {  	_ =	shalt  }
0x57: {  	_ =	shalt  }
0x58: {  	_ =	shalt  }
0x59: {  	_ =	shalt  }
0x5a: {  	_ =	shalt  }
0x5b: {  	_ =	shalt  }
0x5c: {  	_ =	shalt  }
0x5d: {  	_ =	shalt  }
0x5e: {  	_ =	shalt  }
0x5f: {  	_ =	shalt  }
0x60: {  	_ =	shalt  }
0x61: {  	_ =	shalt  }
0x62: {  	_ =	shalt  }
0x63: {  	_ =	shalt  }
0x64: {  	_ =	shalt  }
0x65: {  	_ =	shalt  }
0x66: {  	_ =	shalt  }
0x67: {  	_ =	shalt  }
0x68: {  	_ =	shalt  }
0x69: {  	_ =	shalt  }
0x6a: {  	_ =	shalt  }
0x6b: {  	_ =	shalt  }
0x6c: {  	_ =	shalt  }
0x6d: {  	_ =	shalt  }
0x6e: {  	_ =	shalt  }
0x6f: {  	_ =	shalt  }
0x70: {  	_ =	shalt  }
0x71: {  	_ =	shalt  }
0x72: {  	_ =	shalt  }
0x73: {  	_ =	shalt  }
0x74: {  	_ =	shalt  }
0x75: {  	_ =	shalt  }
0x76: {  	_ =	shalt  }
0x77: {  	_ =	shalt  }
0x78: {  	_ =	shalt  }
0x79: {  	_ =	shalt  }
0x7a: {  	_ =	shalt  }
0x7b: {  	_ =	shalt  }
0x7c: {  	_ =	shalt  }
0x7d: {  	_ =	shalt  }
0x7e: {  	_ =	shalt  }
0x7f: {  	_ =	shalt  }
0x80: {  	_ =	shalt  }
0x81: {  	_ =	shalt  }
0x82: {  	_ =	shalt  }
0x83: {  	_ =	shalt  }
0x84: {  	_ =	shalt  }
0x85: {  	_ =	shalt  }
0x86: {  	_ =	shalt  }
0x87: {  	_ =	shalt  }
.Lfunc_end0:
.L_simem_size_0:
called_computation_lowered:
.L_overlay_start_0:
0x88: {  	s2 =	sld [smem:$0x3FD9]  }
0x89: {  	s3 =	sld [smem:$0x3FFE];
	_ =	sdelay $0x1  }
0x8a: {  	s1 =	srdreg.scid  }
0x8b: {  	s0 =	sand.u32 $0x1, s1  }
0x8c: {  	s17 =	sshll.u32 s0, $0xA;
	s2 =	sadd.s32 s3, s2  }
0x8d: {  	s2 =	sadd.s32 s2, s17  }
0x8e: {  	[smem:$0x3FC2] =	sst s2  }
0x8f: {  	_ = 	snop  }
0x90: {  	s2 =	sld [smem:$0x3FC7]  }
0x91: {  	s18 =	sld [smem:$0x3FC6]  }
0x92: {  	s4 =	sld [smem:$0x3FC5]  }
0x93: {  	s5 =	sld [smem:$0x3FD0];
	(tm) =	ssettm $0x1  }
0x94: {  	s6 =	sld [smem:$0x3FFB];
	_ =	sdelay $0x3  }
0x95: {  	_ =	strace s6  }
0x96: {  	s6 =	sld [smem:$0x3FFC];
	_ =	sdelay $0x3  }
0x97: {  	_ =	strace s6  }
0x98: {  	s6 =	sld [smem:$0x3FFD];
	_ =	sdelay $0x3  }
0x99: {  	_ =	strace s6  }
0x9a: {  	_ =	strace $0x8FFFFFFF  }
0x9b: {  	s19 =	sld [smem:$0x3FDB];
	_ =	sdelay $0x1  }
0x9c: {  	s7 =	simm.s32 $_scs_section_size  }
0x9d: {  	s8 =	simm.s32 $_size__tile_overlayer_lowered;
	s9 =	simm.s32 $_tile_overlayer_lowered  }
0x9e: {  	s22 =	simm.s32 $0x1BFF;
	s21 =	sshll.u32 s9, $0x1;
	s6 =	sadd.s32 s7, s19  }
0x9f: {  	s10 =	simm.s32 $0x0;
	s20 =	sshll.u32 s8, $0x1;
	s8 =	sadd.s32 s21, s6  }
0xa0: {  	[timem:s10], [sflag:s22] =	dma.local [hbm:s8], s20  }
0xa1: {  	_ =	swait.ge [sflag:s22], s20  }
0xa2: {  	s7 =	ssub.s32 $0x0, s20;
	[sflag:s22] =	ssyncset.done $0x0  }
0xa3: {  	[sflag:s22] =	ssyncadd.s32 s7;
	_ =	sdelay $0x1  }
0xa4: {  	s23 =	simm.s32 $0x1B8B  }
0xa5: {  	_ =	swait.ge [sflag:s23], $0x1  }
0xa6: {  	[sflag:s23] =	ssyncset.done $0x0  }
0xa7: {  	s25 =	simm.s32 $0x1B8E;
	s24 =	sld [smem:$0x3FFE];
	[sflag:s23] =	ssyncadd.s32 $0xFFFFFFFF  }
0xa8: {  	s26 =	simm.s32 $execute0_lowered;
	[smem:$0x3FD2] =	sst s25  }
0xa9: {  	s8 =	sshll.u32 s26, $0x1;
	_ =	strace $0x80000046;
	[dreg:$0x1] =	wrdreg $0xFFFFFFFF  }
0xaa: {  	s28 =	simm.s32 $_size_execute0_lowered;
	s6 =	sadd.s32 s6, s8;
	[dreg:$0x0] =	wrdreg $0x0  }
0xab: {  	s8 =	sshll.u32 s28, $0x1;
	[dreg:$0x2] =	wrdreg s6  }
0xac: {  	[dreg:$0x3] =	wrdreg s8  }
0xad: {  	[dreg:$0x4] =	wrdreg $0xC0  }
0xae: {  	_ =	task [dreg:s10], $0x5FFFF  }
0xaf: {  	[dreg:$0x1] =	wrdreg $0xFFFFFFFF  }
0xb0: {  	[dreg:$0x0] =	wrdreg $0x60  }
0xb1: {  	[dreg:$0x2] =	wrdreg s5  }
0xb2: {  	[dreg:$0x3] =	wrdreg s18  }
0xb3: {  	[dreg:$0x4] =	wrdreg s4  }
0xb4: {  	[dreg:$0x5] =	wrdreg s2  }
0xb5: {  	[dreg:$0x6] =	wrdreg s24  }
0xb6: {  	[dreg:$0x7] =	wrdreg $0x187000  }
0xb7: {  	[dreg:$0x8] =	wrdreg $0x9  }
0xb8: {  	_ =	task.clear_ibuf [dreg:s10], $0x9FFFF;
	_ =	strace $0x90000046  }
0xb9: {  	s29 =	simm.s32 $0x9;
	_ =	strace $0x80000048  }
0xba: {  	_ =	swait.ge [sflag:s29], $0x1  }
0xbb: {  	[sflag:s29] =	ssyncadd.s32 $0xFFFFFFFF  }
0xbc: {  	_ =	strace $0x90000048  }
0xbd: {  	_ =	sfence  }
0xbe: {  	s30 =	sld [smem:$0x0];
	_ =	sdelay $0x2  }
0xbf: {  	s31 =	sshll.u32 s1, $0xD;
	s1 =	sshrl.u32 s1, $0x2  }
0xc0: {  	s3 =	sand.u32 $0x4000, s31;
	s1 =	sadd.s32 s1, s30  }
0xc1: {  	s0 =	sor.u32 s3, s0;
	s1 =	sshll.u32 s1, $0x11  }
0xc2: {  	s0 =	sor.u32 s1, s0  }
0xc3: {  	s0 =	sadd.s32 $0x8F2B, s0  }
0xc4: {  	[sflag:s0] =	ssyncadd.remote.s32 $0x1  }
0xc5: {  	_ =	sfence.sel $0xFFFF  }
0xc6: {  	[dreg:$0x0] =	wrdreg $0xFFFFFFFF;
	(pc) =	sbr.abs _section_cstart, $3  }
0xc7: {  	[dreg:$0x1] =	wrdreg $0xFFFFFFFF  }
0xc8: {  	_ =	task.clear_ibuf [dreg:s10], $0x2FFFF;
	_ =	strace $0x9FFFFFFF  }
0xc9: {  	(tm) =	ssettm $0x7FFFFFFF  }
tec
execute0_lowered:
.L_overlay_start_1:
0x0: {  	(tag) =	ssettag $0x1  }
0x1: {  	s1 =	rddreg [dreg:$0x1]  }
0x2: {  	s2 =	rddreg [dreg:$0x2]  }
0x3: {  	s3 =	rddreg [dreg:$0x3]  }
0x4: {  	s0 =	rddreg [dreg:$0x4]  }
0x5: {  	s4 =	srdreg.scid;
	s8 =	stileid.u32  }
0x6: {  	s5 =	rddreg [dreg:$0x5];
	s6 =	simm.s32 $0x0;
	s17 =	simm.s32 $0x1  }
0x7: {  	s20 =	simm.s32 $0x1CF70;
	s21 =	simm.s32 $0x2;
	s28 =	simm.s32 $0x4  }
0x8: {  	s29 =	simm.s32 $0x1DF70;
	s30 =	simm.s32 $0x1F770;
	s31 =	simm.s32 $0x5  }
0x9: {  	s18 =	simm.s32 $0x0;
	s4 =	sand.u32 $0x1, s4;
	s9 =	smul.u32 $0x61A8, s8  }
0xa: {  	[smem:$0x7FF] =	sst s6;
	s23 =	sadd.s32 $0xC350, s5;
	p0 =	sne.s32 s8, $0x0  }
0xb: {  	p1 =	sgt.u32 s8, $0x3;
	s7 =	smul.u32 $0x18800, s4;
	_ =	strace $0x80000047  }
0xc: {  	s10 =	ssub.s32 $0x2, s4;
	s4 =	sshll.u32 s4, $0x4;
	[dreg:$0x7] =	wrdreg s23  }
0xd: {  	s23 =	simm.s32 $0x1E770;
	s11 =	sshrl.u32 s10, $0x1;
	s7 =	sadd.s32 s9, s7  }
0xe: {  	s22 =	ssub.s32 s10, s11;
	s9 =	sadd.s32 s9, s5;
	s7 =	sshrl.u32 s7, $0x3  }
0xf: {  	[dreg:$0xb] =	wrdreg s9;
	s16 =	smax.u32 s22, $0x1;
	s22 =	simm.s32 $0x800  }
0x10: {  	s0 =	sadd.s32 s7, s0;
	s7 =	sor.u32 s8, s4;
	s4 =	simm.s32 $0x6  }
.Ltmp0:
0x11: {  	s24 =	sshll.u32 s7, $0x8;
	s12 =	sor.u32 $0x20, s7;
	(pc) =	sbr.rel .LBB2_1-.Ltmp0, $4  }
0x12: {  	s13 =	sor.u32 $0x40, s7;
	s15 =	sadd.s32 $0xC00, s0;
	s25 =	sadd.s32 s1, s24  }
0x13: {  	s0 =	simm.s32 $0x7;
	s26 =	sadd.s32 s2, s24;
	[dreg:$0x8] =	wrdreg s25  }
0x14: {  	s10 =	sadd.s32 s3, s24;
	s24 =	simm.s32 $0x3;
	[dreg:$0x9] =	wrdreg s26  }
0x15: {  	v0 =	vimm.f32 $0.0e+00;
	[dreg:$0xa] =	wrdreg s10;
	s25 =	simm.s32 $0x1D770;
	s26 =	simm.s32 $0x1EF70  }
.LBB2_15:
0x16: {  	_ =	swait.ge [sflag:s31], $0x800  }
0x17: {  	[sflag:s31] =	ssyncset.done $0x0  }
0x18: {  	[sflag:s31] =	ssyncadd.s32 $0xFFFFF800  }
0x19: {  	_ =	swait.ge [sflag:s4], $0x800  }
0x1a: {  	[sflag:s4] =	ssyncset.done $0x0  }
0x1b: {  	[sflag:s4] =	ssyncadd.s32 $0xFFFFF800  }
0x1c: {  	_ =	swait.ge [sflag:s0], $0x800  }
0x1d: {  	[sflag:s0] =	ssyncset.done $0x0  }
0x1e: {  	[sflag:s0] =	ssyncadd.s32 $0xFFFFF800  }
0x1f: {  	[bflag:$0x0] =	sbarrier.arrive $0xFFFF  }
0x20: {  	s8 =	simm.s32 @!p1 $0x0;
	s9 =	rddreg [dreg:$0xb]  }
0x21: {  	[tilespmem:s8], [sflag:$0x8] =	stream.linear.gather @!p1 [spmem:s9], $0x61A8, $0x38;
	[tilespmem:$0x1FF70] =	vst v63  }
0x22: {  	s9 =	simm.s32 @!p1 $0x8  }
0x23: {  	s18 =	sadd.s32 $0x1, s18;
	_ =	swait.ge @!p1 [sflag:s9], $0x61A8  }
0x24: {  	p2 =	sne.s32 s18, s16;
	[sflag:s9] =	ssyncset.done @!p1 $0x0  }
.Ltmp1:
0x25: {  	[sflag:s9] =	ssyncadd.s32 @!p1 $0xFFFF9E58;
	(pc) =	sbr.rel @!p2 .LBB2_16-.Ltmp1, $4  }
0x26: {  	[hbm4b:s15+s8] =	stream.linear.scatter @!p1 [tilespmem:s8], [sflag:$0x8], $0x61A8, $0x38;
	[tilespmem:$0x1FF70] =	vst v63  }
0x27: {  	_ =	swait.ge @!p1 [sflag:s9], $0x61A8  }
0x28: {  	[sflag:s9] =	ssyncset.done @!p1 $0x0  }
0x29: {  	[sflag:s9] =	ssyncadd.s32 @!p1 $0xFFFF9E58  }
.LBB2_1:
0x2a: {  	s8 =	simm.s32 $0x40;
	s9 =	simm.s32 $0x0  }
.LBB2_2:
0x2b: {  	p2 =	sne.s32 s8, $0x30D00;
	[tilespmem:s9+$0x0] =	vst v0;
	s9 =	smov.u32 s8;
	s8 =	sadd.s32 $0x40, s8  }
.Ltmp2:
0x2c: {  	(pc) =	sbr.rel @p2 .LBB2_2-.Ltmp2, $2  }
0x2d: {  	_ =	sdelay $0x2  }
0x2e: {  	s9 =	sshra.s32 s9, $0x2  }
0x2f: {  	[tilespmem:s9+$0x0] =	vst v0;
	s8 =	simm.s32 @!p0 $0x0;
	s9 =	simm.s32 @!p0 $0x8  }
0x30: {  	[spmem:s5] =	stream.linear.scatter @!p0 [tilespmem:s8], [sflag:$0x8], $0xC350, $0x38;
	[tilespmem:$0x1FF70] =	vst v63  }
0x31: {  	_ =	swait.ge @!p0 [sflag:s9], $0xC350  }
0x32: {  	[sflag:s9] =	ssyncset.done @!p0 $0x0  }
0x33: {  	s10 =	rddreg [dreg:$0x7];
	[sflag:s9] =	ssyncadd.s32 @!p0 $0xFFFF3CB0  }
0x34: {  	[spmem:s10] =	stream.linear.scatter @!p0 [tilespmem:s8], [sflag:$0x8], $0xC350, $0x38;
	[tilespmem:$0x1FF70] =	vst v63  }
0x35: {  	_ =	swait.ge @!p0 [sflag:s9], $0xC350  }
0x36: {  	[sflag:s9] =	ssyncset.done @!p0 $0x0  }
0x37: {  	[sflag:s9] =	ssyncadd.s32 @!p0 $0xFFFF3CB0  }
0x38: {  	[bflag:$0x0] =	sbarrier.arrive $0xFFFF  }
0x39: {  	s19 =	simm.s32 $0x0;
	s10 =	rddreg [dreg:$0x0]  }
0x3a: {  	[tilespmem:s19], [sflag:$0x1] =	stream.linear.gather [hbm4b:s10+s19], $0x186A0, $0x38;
	[tilespmem:$0x1FF70] =	vst v63  }
0x3b: {  	_ =	swait.ge [sflag:s17], $0x186A0  }
0x3c: {  	[sflag:s17] =	ssyncset.done $0x0  }
0x3d: {  	s14 =	simm.s32 $0x19F70;
	s11 =	rddreg [dreg:$0x8];
	[sflag:s17] =	ssyncadd.s32 $0xFFFE7960  }
0x3e: {  	[tilespmem:s14], [sflag:$0x2] =	stream.linear.gather [hbm4b:s11+s19], $0x800, $0x38;
	[tilespmem:$0x1FF70] =	vst v63  }
.Ltmp3:
0x3f: {  	_ = 	snop;
	(pc) =	sbr.rel .LBB2_4-.Ltmp3, $4  }
0x40: {  	s10 =	rddreg [dreg:$0x9];
	s11 =	simm.s32 $0x1B770  }
0x41: {  	[tilespmem:s11], [sflag:$0x2] =	stream.linear.gather [hbm4b:s10+s19], $0x800, $0x38;
	[tilespmem:$0x1FF70] =	vst v63  }
0x42: {  	s14 =	rddreg [dreg:$0xa]  }
0x43: {  	[tilespmem:s20], [sflag:$0x2] =	stream.linear.gather [hbm4b:s14+s19], $0x800, $0x38;
	[tilespmem:$0x1FF70] =	vst v63  }
.LBB2_14:
0x44: {  	s19 =	sadd.s32 $0x1, s19  }
0x45: {  	p2 =	sne.s32 s19, $0x21  }
.Ltmp4:
0x46: {  	_ = 	snop;
	(pc) =	sbr.rel @!p2 .LBB2_15-.Ltmp4, $1  }
0x47: {  	_ =	sdelay $0x3  }
.LBB2_4:
0x48: {  	s8 =	smul.u32 $0x60, s19;
	_ =	sdelay $0x1  }
0x49: {  	s9 =	sor.u32 s7, s8  }
0x4a: {  	p2 =	sgt.u32 s9, $0xC14  }
0x4b: {  	p3 =	seq.s32 @!p2 s19, $0x0  }
0x4c: {  	p3 =	por p3, p2  }
0x4d: {  	s10 =	simm.s32 @!p3 $0x6  }
0x4e: {  	s9 =	sshll.u32 @!p2 s9, $0x8;
	_ =	swait.ge @!p3 [sflag:s10], $0x800  }
0x4f: {  	s11 =	simm.s32 @!p2 $0x0;
	s9 =	sadd.s32 @!p2 $0x2000, s9;
	[sflag:s10] =	ssyncset.done @!p3 $0x0  }
0x50: {  	s14 =	simm.s32 @!p2 $0x1A770;
	[sflag:s10] =	ssyncadd.s32 @!p3 $0xFFFFF800;
	s10 =	sadd.s32 @!p2 s1, s9  }
0x51: {  	[tilespmem:s14], [sflag:$0x3] =	stream.linear.gather @!p2 [hbm4b:s10+s11], $0x800, $0x38;
	[tilespmem:$0x1FF70] =	vst v63  }
0x52: {  	s10 =	sadd.s32 @!p2 s2, s9;
	s14 =	simm.s32 @!p2 $0x1BF70  }
0x53: {  	[tilespmem:s14], [sflag:$0x3] =	stream.linear.gather @!p2 [hbm4b:s10+s11], $0x800, $0x38;
	[tilespmem:$0x1FF70] =	vst v63  }
0x54: {  	s9 =	sadd.s32 @!p2 s3, s9;
	s10 =	simm.s32 @!p2 $0x1D770  }
0x55: {  	[tilespmem:s10], [sflag:$0x3] =	stream.linear.gather @!p2 [hbm4b:s9+s11], $0x800, $0x38;
	[tilespmem:$0x1FF70] =	vst v63  }
0x56: {  	_ =	swait.ge [sflag:s21], $0x800  }
0x57: {  	[sflag:s21] =	ssyncset.done $0x0  }
0x58: {  	[sflag:s21] =	ssyncadd.s32 $0xFFFFF800  }
0x59: {  	_ =	swait.ge [sflag:s21], $0x800  }
0x5a: {  	[sflag:s21] =	ssyncset.done $0x0  }
0x5b: {  	[sflag:s21] =	ssyncadd.s32 $0xFFFFF800  }
0x5c: {  	_ =	swait.ge [sflag:s21], $0x800  }
0x5d: {  	[sflag:s21] =	ssyncset.done $0x0  }
0x5e: {  	s9 =	simm.s32 $0x0;
	[sflag:s21] =	ssyncadd.s32 $0xFFFFF800  }
0x5f: {  	v1 =	vld [tilespmem:s9+$0x19F70];
	_ =	sdelay $0x5  }
0x60: {  	v2 =	vld [tilespmem:s9+$0x1B770]  }
0x61: {  	v3 =	vld [tilespmem:s9+$0x19F80]  }
0x62: {  	v1 =	vld.idx.msk [tilespmem:v1+s6+$0x0], $0xffff;
	_ =	sdelay $0x4  }
0x63: {  	v1 =	vmul.f32 v2, v1;
	_ =	sdelay $0x1  }
0x64: {  	[tilespmem:s9+$0x1E770] =	vst v1;
	v1 =	vld [tilespmem:s9+$0x1B780]  }
0x65: {  	v2 =	vld.idx.msk [tilespmem:v3+s6+$0x0], $0xffff  }
0x66: {  	v3 =	vld [tilespmem:s9+$0x19F90];
	_ =	sdelay $0x4  }
0x67: {  	v1 =	vmul.f32 v1, v2;
	_ =	sdelay $0x1  }
0x68: {  	[tilespmem:s9+$0x1E780] =	vst v1;
	v1 =	vld [tilespmem:s9+$0x1B790]  }
0x69: {  	v2 =	vld.idx.msk [tilespmem:v3+s6+$0x0], $0xffff  }
0x6a: {  	v3 =	vld [tilespmem:s9+$0x19FA0];
	_ =	sdelay $0x4  }
0x6b: {  	v1 =	vmul.f32 v1, v2;
	_ =	sdelay $0x1  }
0x6c: {  	[tilespmem:s9+$0x1E790] =	vst v1;
	v1 =	vld [tilespmem:s9+$0x1B7A0]  }
0x6d: {  	s11 =	simm.s32 $0x40;
	s10 =	simm.s32 $0x200;
	v2 =	vld.idx.msk [tilespmem:v3+s6+$0x0], $0xffff  }
.LBB2_5:
0x6e: {  	p2 =	sne.s32 s10, $0x1F00;
	v3 =	vld [tilespmem:s11+$0x19F70];
	_ =	sdelay $0x4  }
0x6f: {  	v1 =	vmul.f32 v1, v2;
	_ =	sdelay $0x1  }
0x70: {  	v2 =	vld [tilespmem:s11+$0x1B770];
	[tilespmem:s9+$0x1E7A0] =	vst v1;
	s9 =	smov.u32 s11  }
0x71: {  	v1 =	vld.idx.msk [tilespmem:v3+s6+$0x0], $0xffff  }
0x72: {  	v3 =	vld [tilespmem:s9+$0x19F80];
	_ =	sdelay $0x4  }
0x73: {  	v1 =	vmul.f32 v2, v1;
	_ =	sdelay $0x1  }
0x74: {  	[tilespmem:s9+$0x1E770] =	vst v1;
	v1 =	vld [tilespmem:s9+$0x1B780]  }
0x75: {  	v2 =	vld.idx.msk [tilespmem:v3+s6+$0x0], $0xffff  }
0x76: {  	v3 =	vld [tilespmem:s9+$0x19F90];
	_ =	sdelay $0x4  }
0x77: {  	v1 =	vmul.f32 v1, v2;
	_ =	sdelay $0x1  }
0x78: {  	[tilespmem:s9+$0x1E780] =	vst v1;
	v1 =	vld [tilespmem:s9+$0x1B790]  }
0x79: {  	v2 =	vld.idx.msk [tilespmem:v3+s6+$0x0], $0xffff  }
0x7a: {  	v3 =	vld [tilespmem:s9+$0x19FA0];
	_ =	sdelay $0x3  }
.Ltmp5:
0x7b: {  	(pc) =	sbr.rel @p2 .LBB2_5-.Ltmp5, $3  }
0x7c: {  	v1 =	vmul.f32 v1, v2;
	_ =	sdelay $0x1  }
0x7d: {  	[tilespmem:s9+$0x1E790] =	vst v1;
	v1 =	vld [tilespmem:s9+$0x1B7A0]  }
0x7e: {  	s11 =	sshra.s32 s10, $0x2;
	s10 =	sadd.s32 $0x100, s10;
	v2 =	vld.idx.msk [tilespmem:v3+s6+$0x0], $0xffff  }
0x7f: {  	v3 =	vld [tilespmem:s11+$0x19F70];
	_ =	sdelay $0x4  }
0x80: {  	v1 =	vmul.f32 v1, v2;
	_ =	sdelay $0x1  }
0x81: {  	v2 =	vld [tilespmem:s11+$0x1B770];
	[tilespmem:s9+$0x1E7A0] =	vst v1  }
0x82: {  	v1 =	vld.idx.msk [tilespmem:v3+s6+$0x0], $0xffff  }
0x83: {  	v3 =	vld [tilespmem:s11+$0x19F80];
	_ =	sdelay $0x4  }
0x84: {  	v1 =	vmul.f32 v2, v1;
	_ =	sdelay $0x1  }
0x85: {  	[tilespmem:s11+$0x1E770] =	vst v1;
	v1 =	vld [tilespmem:s11+$0x1B780]  }
0x86: {  	v2 =	vld.idx.msk [tilespmem:v3+s6+$0x0], $0xffff  }
0x87: {  	v3 =	vld [tilespmem:s11+$0x19F90];
	_ =	sdelay $0x4  }
0x88: {  	v1 =	vmul.f32 v1, v2;
	_ =	sdelay $0x1  }
0x89: {  	[tilespmem:s11+$0x1E780] =	vst v1;
	v1 =	vld [tilespmem:s11+$0x1B790]  }
0x8a: {  	v2 =	vld.idx.msk [tilespmem:v3+s6+$0x0], $0xffff  }
0x8b: {  	v3 =	vld [tilespmem:s11+$0x19FA0];
	_ =	sdelay $0x4  }
0x8c: {  	v1 =	vmul.f32 v1, v2;
	_ =	sdelay $0x1  }
0x8d: {  	[tilespmem:s11+$0x1E790] =	vst v1;
	v1 =	vld [tilespmem:s11+$0x1B7A0]  }
0x8e: {  	v2 =	vld.idx.msk [tilespmem:v3+s6+$0x0], $0xffff;
	_ =	sdelay $0x1  }
0x8f: {  	s9 =	sadd.s32 s12, s8  }
0x90: {  	p2 =	sgt.u32 s9, $0xC34  }
.Ltmp6:
0x91: {  	_ = 	snop;
	(pc) =	sbr.rel @p2 .LBB2_10-.Ltmp6, $3  }
0x92: {  	v1 =	vmul.f32 v1, v2;
	_ =	sdelay $0x1  }
0x93: {  	[tilespmem:s11+$0x1E7A0] =	vst v1  }
0x94: {  	[spmem:s5] =	stream.indirect.scatter.add.f32 [tilespmem:s23], [sflag:$0x5], $0x1, s20, s22, $0xb8;
	[tilespmem:$0x1FF70] =	vst v63  }
0x95: {  	p2 =	sgt.u32 s9, $0xC14  }
0x96: {  	p3 =	seq.s32 @!p2 s19, $0x0  }
0x97: {  	p3 =	por p3, p2  }
0x98: {  	s10 =	simm.s32 @!p3 $0x7  }
0x99: {  	s9 =	sshll.u32 @!p2 s9, $0x8;
	_ =	swait.ge @!p3 [sflag:s10], $0x800  }
0x9a: {  	s11 =	simm.s32 @!p2 $0x0;
	s9 =	sadd.s32 @!p2 $0x2000, s9;
	[sflag:s10] =	ssyncset.done @!p3 $0x0  }
0x9b: {  	s14 =	simm.s32 @!p2 $0x1AF70;
	[sflag:s10] =	ssyncadd.s32 @!p3 $0xFFFFF800;
	s10 =	sadd.s32 @!p2 s1, s9  }
0x9c: {  	[tilespmem:s14], [sflag:$0x4] =	stream.linear.gather @!p2 [hbm4b:s10+s11], $0x800, $0x38;
	[tilespmem:$0x1FF70] =	vst v63  }
0x9d: {  	s10 =	sadd.s32 @!p2 s2, s9;
	s14 =	simm.s32 @!p2 $0x1C770  }
0x9e: {  	[tilespmem:s14], [sflag:$0x4] =	stream.linear.gather @!p2 [hbm4b:s10+s11], $0x800, $0x38;
	[tilespmem:$0x1FF70] =	vst v63  }
0x9f: {  	s9 =	sadd.s32 @!p2 s3, s9;
	s10 =	simm.s32 @!p2 $0x1DF70  }
0xa0: {  	[tilespmem:s10], [sflag:$0x4] =	stream.linear.gather @!p2 [hbm4b:s9+s11], $0x800, $0x38;
	[tilespmem:$0x1FF70] =	vst v63  }
0xa1: {  	_ =	swait.ge [sflag:s24], $0x800  }
0xa2: {  	[sflag:s24] =	ssyncset.done $0x0  }
0xa3: {  	[sflag:s24] =	ssyncadd.s32 $0xFFFFF800  }
0xa4: {  	_ =	swait.ge [sflag:s24], $0x800  }
0xa5: {  	[sflag:s24] =	ssyncset.done $0x0  }
0xa6: {  	[sflag:s24] =	ssyncadd.s32 $0xFFFFF800  }
0xa7: {  	_ =	swait.ge [sflag:s24], $0x800  }
0xa8: {  	[sflag:s24] =	ssyncset.done $0x0  }
0xa9: {  	s9 =	simm.s32 $0x0;
	[sflag:s24] =	ssyncadd.s32 $0xFFFFF800  }
0xaa: {  	v1 =	vld [tilespmem:s9+$0x1A770];
	_ =	sdelay $0x5  }
0xab: {  	v2 =	vld [tilespmem:s9+$0x1BF70]  }
0xac: {  	v3 =	vld [tilespmem:s9+$0x1A780]  }
0xad: {  	v1 =	vld.idx.msk [tilespmem:v1+s6+$0x0], $0xffff;
	_ =	sdelay $0x4  }
0xae: {  	v1 =	vmul.f32 v2, v1;
	_ =	sdelay $0x1  }
0xaf: {  	[tilespmem:s9+$0x1EF70] =	vst v1;
	v1 =	vld [tilespmem:s9+$0x1BF80]  }
0xb0: {  	v2 =	vld.idx.msk [tilespmem:v3+s6+$0x0], $0xffff  }
0xb1: {  	v3 =	vld [tilespmem:s9+$0x1A790];
	_ =	sdelay $0x4  }
0xb2: {  	v1 =	vmul.f32 v1, v2;
	_ =	sdelay $0x1  }
0xb3: {  	[tilespmem:s9+$0x1EF80] =	vst v1;
	v1 =	vld [tilespmem:s9+$0x1BF90]  }
0xb4: {  	v2 =	vld.idx.msk [tilespmem:v3+s6+$0x0], $0xffff  }
0xb5: {  	v3 =	vld [tilespmem:s9+$0x1A7A0];
	_ =	sdelay $0x4  }
0xb6: {  	v1 =	vmul.f32 v1, v2;
	_ =	sdelay $0x1  }
0xb7: {  	[tilespmem:s9+$0x1EF90] =	vst v1;
	v1 =	vld [tilespmem:s9+$0x1BFA0]  }
0xb8: {  	s11 =	simm.s32 $0x40;
	s10 =	simm.s32 $0x200;
	v2 =	vld.idx.msk [tilespmem:v3+s6+$0x0], $0xffff  }
.LBB2_8:
0xb9: {  	p2 =	sne.s32 s10, $0x1F00;
	v3 =	vld [tilespmem:s11+$0x1A770];
	_ =	sdelay $0x4  }
0xba: {  	v1 =	vmul.f32 v1, v2;
	_ =	sdelay $0x1  }
0xbb: {  	v2 =	vld [tilespmem:s11+$0x1BF70];
	[tilespmem:s9+$0x1EFA0] =	vst v1;
	s9 =	smov.u32 s11  }
0xbc: {  	v1 =	vld.idx.msk [tilespmem:v3+s6+$0x0], $0xffff  }
0xbd: {  	v3 =	vld [tilespmem:s9+$0x1A780];
	_ =	sdelay $0x4  }
0xbe: {  	v1 =	vmul.f32 v2, v1;
	_ =	sdelay $0x1  }
0xbf: {  	[tilespmem:s9+$0x1EF70] =	vst v1;
	v1 =	vld [tilespmem:s9+$0x1BF80]  }
0xc0: {  	v2 =	vld.idx.msk [tilespmem:v3+s6+$0x0], $0xffff  }
0xc1: {  	v3 =	vld [tilespmem:s9+$0x1A790];
	_ =	sdelay $0x4  }
0xc2: {  	v1 =	vmul.f32 v1, v2;
	_ =	sdelay $0x1  }
0xc3: {  	[tilespmem:s9+$0x1EF80] =	vst v1;
	v1 =	vld [tilespmem:s9+$0x1BF90]  }
0xc4: {  	v2 =	vld.idx.msk [tilespmem:v3+s6+$0x0], $0xffff  }
0xc5: {  	v3 =	vld [tilespmem:s9+$0x1A7A0];
	_ =	sdelay $0x3  }
.Ltmp7:
0xc6: {  	(pc) =	sbr.rel @p2 .LBB2_8-.Ltmp7, $3  }
0xc7: {  	v1 =	vmul.f32 v1, v2;
	_ =	sdelay $0x1  }
0xc8: {  	[tilespmem:s9+$0x1EF90] =	vst v1;
	v1 =	vld [tilespmem:s9+$0x1BFA0]  }
0xc9: {  	s11 =	sshra.s32 s10, $0x2;
	s10 =	sadd.s32 $0x100, s10;
	v2 =	vld.idx.msk [tilespmem:v3+s6+$0x0], $0xffff  }
0xca: {  	v3 =	vld [tilespmem:s11+$0x1A770];
	_ =	sdelay $0x4  }
0xcb: {  	v1 =	vmul.f32 v1, v2;
	_ =	sdelay $0x1  }
0xcc: {  	v2 =	vld [tilespmem:s11+$0x1BF70];
	[tilespmem:s9+$0x1EFA0] =	vst v1  }
0xcd: {  	v1 =	vld.idx.msk [tilespmem:v3+s6+$0x0], $0xffff  }
0xce: {  	v3 =	vld [tilespmem:s11+$0x1A780];
	_ =	sdelay $0x4  }
0xcf: {  	v1 =	vmul.f32 v2, v1;
	_ =	sdelay $0x1  }
0xd0: {  	[tilespmem:s11+$0x1EF70] =	vst v1;
	v1 =	vld [tilespmem:s11+$0x1BF80]  }
0xd1: {  	v2 =	vld.idx.msk [tilespmem:v3+s6+$0x0], $0xffff  }
0xd2: {  	v3 =	vld [tilespmem:s11+$0x1A790];
	_ =	sdelay $0x4  }
0xd3: {  	v1 =	vmul.f32 v1, v2;
	_ =	sdelay $0x1  }
0xd4: {  	[tilespmem:s11+$0x1EF80] =	vst v1;
	v1 =	vld [tilespmem:s11+$0x1BF90]  }
0xd5: {  	v2 =	vld.idx.msk [tilespmem:v3+s6+$0x0], $0xffff  }
0xd6: {  	v3 =	vld [tilespmem:s11+$0x1A7A0];
	_ =	sdelay $0x4  }
0xd7: {  	v1 =	vmul.f32 v1, v2;
	_ =	sdelay $0x1  }
0xd8: {  	[tilespmem:s11+$0x1EF90] =	vst v1;
	v1 =	vld [tilespmem:s11+$0x1BFA0]  }
0xd9: {  	v2 =	vld.idx.msk [tilespmem:v3+s6+$0x0], $0xffff;
	_ =	sdelay $0x4  }
0xda: {  	v1 =	vmul.f32 v1, v2;
	_ =	sdelay $0x1  }
0xdb: {  	[tilespmem:s11+$0x1EFA0] =	vst v1  }
0xdc: {  	[spmem:s5] =	stream.indirect.scatter.add.f32 [tilespmem:s26], [sflag:$0x6], $0x1, s25, s22, $0xb8;
	[tilespmem:$0x1FF70] =	vst v63  }
.LBB2_10:
0xdd: {  	s8 =	sadd.s32 s13, s8  }
0xde: {  	p2 =	sgt.u32 s8, $0xC34  }
.Ltmp8:
0xdf: {  	_ = 	snop;
	(pc) =	sbr.rel @p2 .LBB2_14-.Ltmp8, $1  }
0xe0: {  	_ =	sdelay $0x3  }
0xe1: {  	p2 =	sgt.u32 s8, $0xC14  }
0xe2: {  	s9 =	simm.s32 @!p2 $0x5  }
0xe3: {  	s8 =	sshll.u32 @!p2 s8, $0x8;
	_ =	swait.ge @!p2 [sflag:s9], $0x800  }
0xe4: {  	s10 =	simm.s32 @!p2 $0x0;
	s8 =	sadd.s32 @!p2 $0x2000, s8;
	[sflag:s9] =	ssyncset.done @!p2 $0x0  }
0xe5: {  	s11 =	simm.s32 @!p2 $0x19F70;
	[sflag:s9] =	ssyncadd.s32 @!p2 $0xFFFFF800;
	s9 =	sadd.s32 @!p2 s1, s8  }
0xe6: {  	[tilespmem:s11], [sflag:$0x2] =	stream.linear.gather @!p2 [hbm4b:s9+s10], $0x800, $0x38;
	[tilespmem:$0x1FF70] =	vst v63  }
0xe7: {  	s9 =	sadd.s32 @!p2 s2, s8;
	s11 =	simm.s32 @!p2 $0x1B770  }
0xe8: {  	[tilespmem:s11], [sflag:$0x2] =	stream.linear.gather @!p2 [hbm4b:s9+s10], $0x800, $0x38;
	[tilespmem:$0x1FF70] =	vst v63  }
0xe9: {  	s8 =	sadd.s32 @!p2 s3, s8;
	s9 =	simm.s32 @!p2 $0x1CF70  }
0xea: {  	[tilespmem:s9], [sflag:$0x2] =	stream.linear.gather @!p2 [hbm4b:s8+s10], $0x800, $0x38;
	[tilespmem:$0x1FF70] =	vst v63  }
0xeb: {  	_ =	swait.ge [sflag:s28], $0x800  }
0xec: {  	[sflag:s28] =	ssyncset.done $0x0  }
0xed: {  	[sflag:s28] =	ssyncadd.s32 $0xFFFFF800  }
0xee: {  	_ =	swait.ge [sflag:s28], $0x800  }
0xef: {  	[sflag:s28] =	ssyncset.done $0x0  }
0xf0: {  	[sflag:s28] =	ssyncadd.s32 $0xFFFFF800  }
0xf1: {  	_ =	swait.ge [sflag:s28], $0x800  }
0xf2: {  	[sflag:s28] =	ssyncset.done $0x0  }
0xf3: {  	s8 =	simm.s32 $0x0;
	[sflag:s28] =	ssyncadd.s32 $0xFFFFF800  }
0xf4: {  	v1 =	vld [tilespmem:s8+$0x1AF70];
	_ =	sdelay $0x5  }
0xf5: {  	v2 =	vld [tilespmem:s8+$0x1C770]  }
0xf6: {  	v3 =	vld [tilespmem:s8+$0x1AF80]  }
0xf7: {  	v1 =	vld.idx.msk [tilespmem:v1+s6+$0x0], $0xffff;
	_ =	sdelay $0x4  }
0xf8: {  	v1 =	vmul.f32 v2, v1;
	_ =	sdelay $0x1  }
0xf9: {  	[tilespmem:s8+$0x1F770] =	vst v1;
	v1 =	vld [tilespmem:s8+$0x1C780]  }
0xfa: {  	v2 =	vld.idx.msk [tilespmem:v3+s6+$0x0], $0xffff  }
0xfb: {  	v3 =	vld [tilespmem:s8+$0x1AF90];
	_ =	sdelay $0x4  }
0xfc: {  	v1 =	vmul.f32 v1, v2;
	_ =	sdelay $0x1  }
0xfd: {  	[tilespmem:s8+$0x1F780] =	vst v1;
	v1 =	vld [tilespmem:s8+$0x1C790]  }
0xfe: {  	v2 =	vld.idx.msk [tilespmem:v3+s6+$0x0], $0xffff  }
0xff: {  	v3 =	vld [tilespmem:s8+$0x1AFA0];
	_ =	sdelay $0x4  }
0x100: {  	v1 =	vmul.f32 v1, v2;
	_ =	sdelay $0x1  }
0x101: {  	[tilespmem:s8+$0x1F790] =	vst v1;
	v1 =	vld [tilespmem:s8+$0x1C7A0]  }
0x102: {  	s10 =	simm.s32 $0x40;
	s9 =	simm.s32 $0x200;
	v2 =	vld.idx.msk [tilespmem:v3+s6+$0x0], $0xffff  }
.LBB2_12:
0x103: {  	p2 =	sne.s32 s9, $0x1F00;
	v3 =	vld [tilespmem:s10+$0x1AF70];
	_ =	sdelay $0x4  }
0x104: {  	v1 =	vmul.f32 v1, v2;
	_ =	sdelay $0x1  }
0x105: {  	v2 =	vld [tilespmem:s10+$0x1C770];
	[tilespmem:s8+$0x1F7A0] =	vst v1;
	s8 =	smov.u32 s10  }
0x106: {  	v1 =	vld.idx.msk [tilespmem:v3+s6+$0x0], $0xffff  }
0x107: {  	v3 =	vld [tilespmem:s8+$0x1AF80];
	_ =	sdelay $0x4  }
0x108: {  	v1 =	vmul.f32 v2, v1;
	_ =	sdelay $0x1  }
0x109: {  	[tilespmem:s8+$0x1F770] =	vst v1;
	v1 =	vld [tilespmem:s8+$0x1C780]  }
0x10a: {  	v2 =	vld.idx.msk [tilespmem:v3+s6+$0x0], $0xffff  }
0x10b: {  	v3 =	vld [tilespmem:s8+$0x1AF90];
	_ =	sdelay $0x4  }
0x10c: {  	v1 =	vmul.f32 v1, v2;
	_ =	sdelay $0x1  }
0x10d: {  	[tilespmem:s8+$0x1F780] =	vst v1;
	v1 =	vld [tilespmem:s8+$0x1C790]  }
0x10e: {  	v2 =	vld.idx.msk [tilespmem:v3+s6+$0x0], $0xffff  }
0x10f: {  	v3 =	vld [tilespmem:s8+$0x1AFA0];
	_ =	sdelay $0x3  }
.Ltmp9:
0x110: {  	(pc) =	sbr.rel @p2 .LBB2_12-.Ltmp9, $3  }
0x111: {  	v1 =	vmul.f32 v1, v2;
	_ =	sdelay $0x1  }
0x112: {  	[tilespmem:s8+$0x1F790] =	vst v1;
	v1 =	vld [tilespmem:s8+$0x1C7A0]  }
0x113: {  	s10 =	sshra.s32 s9, $0x2;
	s9 =	sadd.s32 $0x100, s9;
	v2 =	vld.idx.msk [tilespmem:v3+s6+$0x0], $0xffff  }
0x114: {  	v3 =	vld [tilespmem:s10+$0x1AF70];
	_ =	sdelay $0x4  }
0x115: {  	v1 =	vmul.f32 v1, v2;
	_ =	sdelay $0x1  }
0x116: {  	v2 =	vld [tilespmem:s10+$0x1C770];
	[tilespmem:s8+$0x1F7A0] =	vst v1  }
0x117: {  	v1 =	vld.idx.msk [tilespmem:v3+s6+$0x0], $0xffff  }
0x118: {  	v3 =	vld [tilespmem:s10+$0x1AF80];
	_ =	sdelay $0x4  }
0x119: {  	v1 =	vmul.f32 v2, v1;
	_ =	sdelay $0x1  }
0x11a: {  	[tilespmem:s10+$0x1F770] =	vst v1;
	v1 =	vld [tilespmem:s10+$0x1C780]  }
0x11b: {  	v2 =	vld.idx.msk [tilespmem:v3+s6+$0x0], $0xffff  }
0x11c: {  	v3 =	vld [tilespmem:s10+$0x1AF90];
	_ =	sdelay $0x4  }
0x11d: {  	v1 =	vmul.f32 v1, v2;
	_ =	sdelay $0x1  }
0x11e: {  	[tilespmem:s10+$0x1F780] =	vst v1;
	v1 =	vld [tilespmem:s10+$0x1C790]  }
0x11f: {  	v2 =	vld.idx.msk [tilespmem:v3+s6+$0x0], $0xffff  }
0x120: {  	v3 =	vld [tilespmem:s10+$0x1AFA0];
	_ =	sdelay $0x4  }
0x121: {  	v1 =	vmul.f32 v1, v2;
	_ =	sdelay $0x1  }
0x122: {  	[tilespmem:s10+$0x1F790] =	vst v1;
	v1 =	vld [tilespmem:s10+$0x1C7A0]  }
0x123: {  	v2 =	vld.idx.msk [tilespmem:v3+s6+$0x0], $0xffff;
	_ =	sdelay $0x3  }
.Ltmp10:
0x124: {  	_ = 	snop;
	(pc) =	sbr.rel .LBB2_14-.Ltmp10, $3  }
0x125: {  	v1 =	vmul.f32 v1, v2;
	_ =	sdelay $0x1  }
0x126: {  	[tilespmem:s10+$0x1F7A0] =	vst v1  }
0x127: {  	[spmem:s5] =	stream.indirect.scatter.add.f32 [tilespmem:s30], [sflag:$0x7], $0x1, s29, s22, $0xb8;
	[tilespmem:$0x1FF70] =	vst v63  }
.LBB2_16:
0x128: {  	_ =	sfence.sel $0x180000  }
0x129: {  	[bflag:$0x0] =	sbarrier.arrive $0xFFFF  }
0x12a: {  	_ =	strace $0x90000047  }
0x12b: {  	[bflag:$0x2] =	sbarrier.arrive $0xFFFF  }
0x12c: {  	s0 =	rddreg [dreg:$0x6]  }
0x12d: {  	s0 =	sadd.s32 @!p0 $0x100000, s0  }
0x12e: {  	[sflag:s0] =	ssyncadd.tile.s32 @!p0 $0x1;
	_ =	shalt  }
.Lfunc_end2:
_tile_overlayer_lowered:
.L_overlay_start_2:
0x12f: {  	(tag) =	ssettag $0x2  }
0x130: {  	s0 =	rddreg [dreg:$0x0];
	s2 =	stileid.u32  }
0x131: {  	s1 =	rddreg [dreg:$0x1];
	p0 =	sne.s32 s2, $0x0  }
0x132: {  	s3 =	rddreg [dreg:$0x2];
	[bflag:$0x3] =	sbarrier.arrive $0xFFFF;
	s2 =	simm.s32 @!p0 $0x1C08  }
0x133: {  	[timem:s3], [sflag:s2] =	dma.local @!p0 [hbm:s0], s1  }
0x134: {  	s0 =	simm.s32 @!p0 $0x8  }
0x135: {  	_ =	swait.ge @!p0 [sflag:s0], s1  }
0x136: {  	s1 =	ssub.s32 @!p0 $0x0, s1;
	[sflag:s0] =	ssyncset.done @!p0 $0x0  }
0x137: {  	[sflag:s0] =	ssyncadd.s32 @!p0 s1  }
0x138: {  	[bflag:$0x3] =	sbarrier.arrive $0xFFFF  }
0x139: {  	_ =	shalt  }

</sc_bundles>
